<compile_context>
chip_gen: v7x
topology: tpu7x:2x2x1
jax: 0.10.2.dev20260603
libtpu: 0.0.44.dev20260713+nightly
codegen_flags: <defaults>
</compile_context>

<pallas_src>
import jax
import jax.numpy as jnp
from jax import lax
from jax.experimental import pallas as pl
from jax.experimental.pallas import tpu as pltpu
from jax.experimental.pallas import tpu_sc as plsc

_T = 32
_N = 32768
_B = 32
_L = 16
_NV = _N // _L
_NG = _NV // 16
_NH = _NG // 16
_BIG = 1 << 30


def _sc_spike_time_body(data_hbm, out_hbm, row_v, st_v, g_v, h_v, dma_sem):
    lane = lax.iota(jnp.int32, _L)
    wid = lax.axis_index("s") * 2 + lax.axis_index("c")
    in_dma = pltpu.async_copy(data_hbm.at[wid], row_v, dma_sem)

    splat31 = jnp.full((_L,), _T - 1, jnp.int32)

    def memset31(g, _):
        base = g * 256
        for k in range(16):
            st_v[pl.ds(base + k * _L, _L)] = splat31
        return 0

    lax.fori_loop(0, _NG, memset31, 0)
    in_dma.wait()

    def phase_a(g, _):
        base = g * 256
        m = jnp.abs(row_v[pl.ds(base, _L)])
        row_v[pl.ds(base, _L)] = m
        for k in range(1, 16):
            vk = jnp.abs(row_v[pl.ds(base + k * _L, _L)])
            row_v[pl.ds(base + k * _L, _L)] = vk
            m = jnp.maximum(m, vk)
        g_v[pl.ds(g * _L, _L)] = m
        return 0

    lax.fori_loop(0, _NG, phase_a, 0)

    def phase_b(h, _):
        m = g_v[pl.ds(h * 256, _L)]
        for j in range(1, 16):
            m = jnp.maximum(m, g_v[pl.ds(h * 256 + j * _L, _L)])
        h_v[pl.ds(h * _L, _L)] = m
        return 0

    lax.fori_loop(0, _NH, phase_b, 0)

    def extract(t, carry):
        i0, i1 = carry
        m = h_v[pl.ds(0, _L)]
        for j in range(1, _NH):
            m = jnp.maximum(m, h_v[pl.ds(j * _L, _L)])
        mval = jnp.max(m)

        big = jnp.full((_L,), _BIG, jnp.int32)
        pos = big
        for j in range(_NH):
            eq = h_v[pl.ds(j * _L, _L)] == mval
            pos = jnp.minimum(pos, jnp.where(eq, j * _L + lane, big))
        hstar = lax.shift_right_logical(jnp.min(pos), 4)

        pos = big
        for j in range(16):
            eq = g_v[pl.ds(hstar * 256 + j * _L, _L)] == mval
            pos = jnp.minimum(pos, jnp.where(eq, j * _L + lane, big))
        gstar = hstar * 16 + lax.shift_right_logical(jnp.min(pos), 4)

        pos = big
        for k in range(16):
            eq = row_v[pl.ds(gstar * 256 + k * _L, _L)] == mval
            pos = jnp.minimum(pos, jnp.where(eq, k * _L + lane, big))
        off = jnp.min(pos)
        idx = gstar * 256 + off

        kbase = gstar * 256 + (off & jnp.int32(~15))
        v = row_v[pl.ds(kbase, _L)]
        v = jnp.where(lane == (off & 15), jnp.float32(-1.0), v)
        row_v[pl.ds(kbase, _L)] = v

        m = row_v[pl.ds(gstar * 256, _L)]
        for k in range(1, 16):
            m = jnp.maximum(m, row_v[pl.ds(gstar * 256 + k * _L, _L)])
        g_v[pl.ds(gstar * _L, _L)] = m

        m = g_v[pl.ds(hstar * 256, _L)]
        for j in range(1, 16):
            m = jnp.maximum(m, g_v[pl.ds(hstar * 256 + j * _L, _L)])
        h_v[pl.ds(hstar * _L, _L)] = m

        tlo = jnp.where(t < _L, t, t - _L)
        sel = lane == tlo
        i0 = jnp.where(sel & (t < _L), idx, i0)
        i1 = jnp.where(sel & (t >= _L), idx, i1)
        return i0, i1

    zeros = jnp.zeros((_L,), jnp.int32)
    i0, i1 = lax.fori_loop(0, _T - 1, extract, (zeros, zeros))

    plsc.store_scatter(st_v, [i0], lane)
    plsc.store_scatter(st_v, [i1], lane + _L, mask=lane < (_T - 1 - _L))
    pltpu.sync_copy(st_v, out_hbm.at[wid])


def _sc_spike_time(data):
    fn = pl.kernel(
        _sc_spike_time_body,
        mesh=plsc.VectorSubcoreMesh(
            core_axis_name="c", subcore_axis_name="s", num_cores=2
        ),
        out_type=jax.ShapeDtypeStruct((_B, _N), jnp.int32),
        compiler_params=pltpu.CompilerParams(needs_layout_passes=False),
        scratch_types=[
            pltpu.VMEM((_N,), jnp.float32),
            pltpu.VMEM((_N,), jnp.int32),
            pltpu.VMEM((_NG * _L,), jnp.float32),
            pltpu.VMEM((_NH * _L,), jnp.float32),
            pltpu.SemaphoreType.DMA,
        ],
    )
    return fn(data)


_RCHUNK = 2


def _expand_kernel(st_ref, o_ref):
    t_iota = lax.broadcasted_iota(jnp.int32, (_T, _N), 0)
    for r in range(_RCHUNK):
        o_ref[r] = (st_ref[r] == t_iota).astype(jnp.float32)


def _expand(st):
    fn = pl.pallas_call(
        _expand_kernel,
        grid=(_B // _RCHUNK,),
        in_specs=[pl.BlockSpec((_RCHUNK, 1, _N), lambda i: (i, 0, 0))],
        out_specs=pl.BlockSpec((_RCHUNK, _T, _N), lambda i: (i, 0, 0)),
        out_shape=jax.ShapeDtypeStruct((_B, _T, _N), jnp.float32),
    )
    return fn(st.reshape(_B, 1, _N))


def kernel(data):
    st = _sc_spike_time(data)
    return _expand(st)

# --- scband reference (transcript-rebuilt; emitter-appended) ---
"""Pipeline reference for scband-rank-order-coding-32521492365351 (READ-ONLY COPY).

The authoritative reference and input builder live on the scoring server;
editing this copy changes nothing except your own understanding.
"""

import jax, jax.numpy as jnp
import numpy as np

TIMESTEPS = 32


def setup_inputs(seed: int = 0) -> dict:
    key = jax.random.key(seed)
    data = jax.random.normal(key, (32, 32768), dtype=jnp.float32)
    return {"data": data}


def reference(data):
    T = TIMESTEPS
    B = data.shape[0]
    flat = data.reshape(B, -1)
    # descending sort by |x|: order[b, r] = index of rank-r element
    order = jnp.argsort(-jnp.abs(flat), axis=-1)
    # ranks[b, i] = rank of element i (0 = largest magnitude)
    ranks = jnp.argsort(order, axis=-1)
    # elements with rank >= T-1 all spike at the last timestep (matches torch loop:
    # rank < timesteps -> spike_time=rank (so rank T-1 -> T-1), rank >= T -> T-1)
    spike_time = jnp.minimum(ranks, T - 1)
    # one spike per element at its spike time
    spike_train = (spike_time[:, None, :] == jnp.arange(T, dtype=spike_time.dtype)[None, :, None]).astype(jnp.float32)
    return spike_train.reshape(B, T, *data.shape[1:])

if __name__ == "__main__":
    import jax
    _d = setup_inputs()
    print(jax.jit(kernel)(*tuple(_d.values())))

</pallas_src>

<mosaic_0001>
#map = affine_map<(d0, d1) -> (0, 0)>
module attributes {stable_mosaic.version = 14 : i64} {
  func.func @_sc_spike_time_body(%arg0: i32, %arg1: i32, %arg2: memref<32x32768xf32, #tpu.memory_space<hbm>>, %arg3: memref<32x32768xi32, #tpu.memory_space<hbm>>, %arg4: memref<32768xf32, #tpu.memory_space<vmem>>, %arg5: memref<32768xi32, #tpu.memory_space<vmem>>, %arg6: memref<2048xf32, #tpu.memory_space<vmem>>, %arg7: memref<128xf32, #tpu.memory_space<vmem>>, %arg8: memref<!tpu.dma_semaphore, #tpu.memory_space<semaphore_mem>>) attributes {dimension_semantics = [#tpu.dimension_semantics<core_parallel>, #tpu.dimension_semantics<subcore_parallel>], iteration_bounds = array<i64: 2, 16>, scalar_prefetch = 0 : i64, scratch_operands = 5 : i64, tpu.core_type = #tpu.core_type<sc_vector_subcore>, window_params = [{transform_indices = #map}, {transform_indices = #map}]} {
    %iota3A = tpu.iota {dimensions = array<i32: 0>} : vector<16xi32>
    %mul3A = arith.constant 2 : i32
    %mul3A_0 = arith.muli %arg1, %mul3A : i32
    %add3A = arith.addi %mul3A_0, %arg0 : i32
    %dma_start3A = arith.constant 0 : i32
    %dma_start3A_1 = tpu.memref_slice %arg2[%add3A, %dma_start3A] : memref<32x32768xf32, #tpu.memory_space<hbm>> -> memref<1x32768xf32, #tpu.memory_space<hbm>>
    %dma_start3A_2 = tpu.memref_squeeze %dma_start3A_1 : memref<1x32768xf32, #tpu.memory_space<hbm>> -> memref<32768xf32, #tpu.memory_space<hbm>>
    %dma_start3A_3 = arith.constant 0 : i32
    %dma_start3A_4 = tpu.memref_slice %arg2[%add3A, %dma_start3A_3] : memref<32x32768xf32, #tpu.memory_space<hbm>> -> memref<1x32768xf32, #tpu.memory_space<hbm>>
    %dma_start3A_5 = tpu.memref_squeeze %dma_start3A_4 : memref<1x32768xf32, #tpu.memory_space<hbm>> -> memref<32768xf32, #tpu.memory_space<hbm>>
    tpu.enqueue_dma source(%dma_start3A_5 : memref<32768xf32, #tpu.memory_space<hbm>>) target(%arg4 : memref<32768xf32, #tpu.memory_space<vmem>>) target_semaphore(%arg8 : memref<!tpu.dma_semaphore, #tpu.memory_space<semaphore_mem>>)
    %broadcast_in_dim3A = arith.constant 31 : i32
    %broadcast_in_dim3A_6 = vector.broadcast %broadcast_in_dim3A : i32 to vector<16xi32>
    %scan3A = arith.constant 0 : i32
    %scan3A_7 = arith.constant 0 : i32
    %scan3A_8 = arith.constant 128 : i32
    %scan3A_9 = arith.addi %scan3A_7, %scan3A_8 : i32
    %scan3A_10 = arith.constant 1 : i32
    %scan3A_11 = scf.for %scan3A_45 = %scan3A_7 to %scan3A_9 step %scan3A_10 iter_args(%scan3A_46 = %scan3A) -> (i32)  : i32 {
      %mul3A_47 = arith.constant 256 : i32
      %mul3A_48 = arith.muli %scan3A_45, %mul3A_47 : i32
      %add3A_49 = arith.constant 0 : i32
      %add3A_50 = arith.addi %mul3A_48, %add3A_49 : i32
      %swap3A = arith.index_cast %add3A_50 : i32 to index
      %swap3A_51 = tpu.vector_load %arg5[%swap3A] {strides = array<i32>} : memref<32768xi32, #tpu.memory_space<vmem>>, vector<16xi32>,
      tpu.vector_store %arg5[%swap3A], %broadcast_in_dim3A_6 {strides = array<i32>} : memref<32768xi32, #tpu.memory_space<vmem>>, vector<16xi32>,
      %add3A_52 = arith.constant 16 : i32
      %add3A_53 = arith.addi %mul3A_48, %add3A_52 : i32
      %swap3A_54 = arith.index_cast %add3A_53 : i32 to index
      %swap3A_55 = tpu.vector_load %arg5[%swap3A_54] {strides = array<i32>} : memref<32768xi32, #tpu.memory_space<vmem>>, vector<16xi32>,
      tpu.vector_store %arg5[%swap3A_54], %broadcast_in_dim3A_6 {strides = array<i32>} : memref<32768xi32, #tpu.memory_space<vmem>>, vector<16xi32>,
      %add3A_56 = arith.constant 32 : i32
      %add3A_57 = arith.addi %mul3A_48, %add3A_56 : i32
      %swap3A_58 = arith.index_cast %add3A_57 : i32 to index
      %swap3A_59 = tpu.vector_load %arg5[%swap3A_58] {strides = array<i32>} : memref<32768xi32, #tpu.memory_space<vmem>>, vector<16xi32>,
      tpu.vector_store %arg5[%swap3A_58], %broadcast_in_dim3A_6 {strides = array<i32>} : memref<32768xi32, #tpu.memory_space<vmem>>, vector<16xi32>,
      %add3A_60 = arith.constant 48 : i32
      %add3A_61 = arith.addi %mul3A_48, %add3A_60 : i32
      %swap3A_62 = arith.index_cast %add3A_61 : i32 to index
      %swap3A_63 = tpu.vector_load %arg5[%swap3A_62] {strides = array<i32>} : memref<32768xi32, #tpu.memory_space<vmem>>, vector<16xi32>,
      tpu.vector_store %arg5[%swap3A_62], %broadcast_in_dim3A_6 {strides = array<i32>} : memref<32768xi32, #tpu.memory_space<vmem>>, vector<16xi32>,
      %add3A_64 = arith.constant 64 : i32
      %add3A_65 = arith.addi %mul3A_48, %add3A_64 : i32
      %swap3A_66 = arith.index_cast %add3A_65 : i32 to index
      %swap3A_67 = tpu.vector_load %arg5[%swap3A_66] {strides = array<i32>} : memref<32768xi32, #tpu.memory_space<vmem>>, vector<16xi32>,
      tpu.vector_store %arg5[%swap3A_66], %broadcast_in_dim3A_6 {strides = array<i32>} : memref<32768xi32, #tpu.memory_space<vmem>>, vector<16xi32>,
      %add3A_68 = arith.constant 80 : i32
      %add3A_69 = arith.addi %mul3A_48, %add3A_68 : i32
      %swap3A_70 = arith.index_cast %add3A_69 : i32 to index
      %swap3A_71 = tpu.vector_load %arg5[%swap3A_70] {strides = array<i32>} : memref<32768xi32, #tpu.memory_space<vmem>>, vector<16xi32>,
      tpu.vector_store %arg5[%swap3A_70], %broadcast_in_dim3A_6 {strides = array<i32>} : memref<32768xi32, #tpu.memory_space<vmem>>, vector<16xi32>,
      %add3A_72 = arith.constant 96 : i32
      %add3A_73 = arith.addi %mul3A_48, %add3A_72 : i32
      %swap3A_74 = arith.index_cast %add3A_73 : i32 to index
      %swap3A_75 = tpu.vector_load %arg5[%swap3A_74] {strides = array<i32>} : memref<32768xi32, #tpu.memory_space<vmem>>, vector<16xi32>,
      tpu.vector_store %arg5[%swap3A_74], %broadcast_in_dim3A_6 {strides = array<i32>} : memref<32768xi32, #tpu.memory_space<vmem>>, vector<16xi32>,
      %add3A_76 = arith.constant 112 : i32
      %add3A_77 = arith.addi %mul3A_48, %add3A_76 : i32
      %swap3A_78 = arith.index_cast %add3A_77 : i32 to index
      %swap3A_79 = tpu.vector_load %arg5[%swap3A_78] {strides = array<i32>} : memref<32768xi32, #tpu.memory_space<vmem>>, vector<16xi32>,
      tpu.vector_store %arg5[%swap3A_78], %broadcast_in_dim3A_6 {strides = array<i32>} : memref<32768xi32, #tpu.memory_space<vmem>>, vector<16xi32>,
      %add3A_80 = arith.constant 128 : i32
      %add3A_81 = arith.addi %mul3A_48, %add3A_80 : i32
      %swap3A_82 = arith.index_cast %add3A_81 : i32 to index
      %swap3A_83 = tpu.vector_load %arg5[%swap3A_82] {strides = array<i32>} : memref<32768xi32, #tpu.memory_space<vmem>>, vector<16xi32>,
      tpu.vector_store %arg5[%swap3A_82], %broadcast_in_dim3A_6 {strides = array<i32>} : memref<32768xi32, #tpu.memory_space<vmem>>, vector<16xi32>,
      %add3A_84 = arith.constant 144 : i32
      %add3A_85 = arith.addi %mul3A_48, %add3A_84 : i32
      %swap3A_86 = arith.index_cast %add3A_85 : i32 to index
      %swap3A_87 = tpu.vector_load %arg5[%swap3A_86] {strides = array<i32>} : memref<32768xi32, #tpu.memory_space<vmem>>, vector<16xi32>,
      tpu.vector_store %arg5[%swap3A_86], %broadcast_in_dim3A_6 {strides = array<i32>} : memref<32768xi32, #tpu.memory_space<vmem>>, vector<16xi32>,
      %add3A_88 = arith.constant 160 : i32
      %add3A_89 = arith.addi %mul3A_48, %add3A_88 : i32
      %swap3A_90 = arith.index_cast %add3A_89 : i32 to index
      %swap3A_91 = tpu.vector_load %arg5[%swap3A_90] {strides = array<i32>} : memref<32768xi32, #tpu.memory_space<vmem>>, vector<16xi32>,
      tpu.vector_store %arg5[%swap3A_90], %broadcast_in_dim3A_6 {strides = array<i32>} : memref<32768xi32, #tpu.memory_space<vmem>>, vector<16xi32>,
      %add3A_92 = arith.constant 176 : i32
      %add3A_93 = arith.addi %mul3A_48, %add3A_92 : i32
      %swap3A_94 = arith.index_cast %add3A_93 : i32 to index
      %swap3A_95 = tpu.vector_load %arg5[%swap3A_94] {strides = array<i32>} : memref<32768xi32, #tpu.memory_space<vmem>>, vector<16xi32>,
      tpu.vector_store %arg5[%swap3A_94], %broadcast_in_dim3A_6 {strides = array<i32>} : memref<32768xi32, #tpu.memory_space<vmem>>, vector<16xi32>,
      %add3A_96 = arith.constant 192 : i32
      %add3A_97 = arith.addi %mul3A_48, %add3A_96 : i32
      %swap3A_98 = arith.index_cast %add3A_97 : i32 to index
      %swap3A_99 = tpu.vector_load %arg5[%swap3A_98] {strides = array<i32>} : memref<32768xi32, #tpu.memory_space<vmem>>, vector<16xi32>,
      tpu.vector_store %arg5[%swap3A_98], %broadcast_in_dim3A_6 {strides = array<i32>} : memref<32768xi32, #tpu.memory_space<vmem>>, vector<16xi32>,
      %add3A_100 = arith.constant 208 : i32
      %add3A_101 = arith.addi %mul3A_48, %add3A_100 : i32
      %swap3A_102 = arith.index_cast %add3A_101 : i32 to index
      %swap3A_103 = tpu.vector_load %arg5[%swap3A_102] {strides = array<i32>} : memref<32768xi32, #tpu.memory_space<vmem>>, vector<16xi32>,
      tpu.vector_store %arg5[%swap3A_102], %broadcast_in_dim3A_6 {strides = array<i32>} : memref<32768xi32, #tpu.memory_space<vmem>>, vector<16xi32>,
      %add3A_104 = arith.constant 224 : i32
      %add3A_105 = arith.addi %mul3A_48, %add3A_104 : i32
      %swap3A_106 = arith.index_cast %add3A_105 : i32 to index
      %swap3A_107 = tpu.vector_load %arg5[%swap3A_106] {strides = array<i32>} : memref<32768xi32, #tpu.memory_space<vmem>>, vector<16xi32>,
      tpu.vector_store %arg5[%swap3A_106], %broadcast_in_dim3A_6 {strides = array<i32>} : memref<32768xi32, #tpu.memory_space<vmem>>, vector<16xi32>,
      %add3A_108 = arith.constant 240 : i32
      %add3A_109 = arith.addi %mul3A_48, %add3A_108 : i32
      %swap3A_110 = arith.index_cast %add3A_109 : i32 to index
      %swap3A_111 = tpu.vector_load %arg5[%swap3A_110] {strides = array<i32>} : memref<32768xi32, #tpu.memory_space<vmem>>, vector<16xi32>,
      tpu.vector_store %arg5[%swap3A_110], %broadcast_in_dim3A_6 {strides = array<i32>} : memref<32768xi32, #tpu.memory_space<vmem>>, vector<16xi32>,
      %scan3A_112 = arith.constant 0 : i32
      scf.yield %scan3A_112 : i32
    }
    %scan3A_12 = arith.constant 128 : i32
    %dma_wait3A = arith.constant 0 : i32
    %dma_wait3A_13 = tpu.memref_slice %arg2[%add3A, %dma_wait3A] : memref<32x32768xf32, #tpu.memory_space<hbm>> -> memref<1x32768xf32, #tpu.memory_space<hbm>>
    %dma_wait3A_14 = tpu.memref_squeeze %dma_wait3A_13 : memref<1x32768xf32, #tpu.memory_space<hbm>> -> memref<32768xf32, #tpu.memory_space<hbm>>
    %dma_wait3A_15 = arith.constant 0 : i32
    %dma_wait3A_16 = tpu.memref_slice %arg2[%add3A, %dma_wait3A_15] : memref<32x32768xf32, #tpu.memory_space<hbm>> -> memref<1x32768xf32, #tpu.memory_space<hbm>>
    %dma_wait3A_17 = tpu.memref_squeeze %dma_wait3A_16 : memref<1x32768xf32, #tpu.memory_space<hbm>> -> memref<32768xf32, #tpu.memory_space<hbm>>
    tpu.wait_dma2 semaphore(%arg8 : memref<!tpu.dma_semaphore, #tpu.memory_space<semaphore_mem>>) src(%dma_wait3A_17 : memref<32768xf32, #tpu.memory_space<hbm>>) dst(%arg4 : memref<32768xf32, #tpu.memory_space<vmem>>)
    %scan3A_18 = arith.constant 0 : i32
    %scan3A_19 = arith.constant 0 : i32
    %scan3A_20 = arith.constant 128 : i32
    %scan3A_21 = arith.addi %scan3A_19, %scan3A_20 : i32
    %scan3A_22 = arith.constant 1 : i32
    %scan3A_23 = scf.for %scan3A_45 = %scan3A_19 to %scan3A_21 step %scan3A_22 iter_args(%scan3A_46 = %scan3A_18) -> (i32)  : i32 {
      %mul3A_47 = arith.constant 256 : i32
      %mul3A_48 = arith.muli %scan3A_45, %mul3A_47 : i32
      %get3A = arith.index_cast %mul3A_48 : i32 to index
      %get3A_49 = tpu.vector_load %arg4[%get3A] {strides = array<i32>} : memref<32768xf32, #tpu.memory_space<vmem>>, vector<16xf32>,
      %abs3A = math.absf %get3A_49 : vector<16xf32>
      %swap3A = arith.index_cast %mul3A_48 : i32 to index
      %swap3A_50 = tpu.vector_load %arg4[%swap3A] {strides = array<i32>} : memref<32768xf32, #tpu.memory_space<vmem>>, vector<16xf32>,
      tpu.vector_store %arg4[%swap3A], %abs3A {strides = array<i32>} : memref<32768xf32, #tpu.memory_space<vmem>>, vector<16xf32>,
      %add3A_51 = arith.constant 16 : i32
      %add3A_52 = arith.addi %mul3A_48, %add3A_51 : i32
      %get3A_53 = arith.index_cast %add3A_52 : i32 to index
      %get3A_54 = tpu.vector_load %arg4[%get3A_53] {strides = array<i32>} : memref<32768xf32, #tpu.memory_space<vmem>>, vector<16xf32>,
      %abs3A_55 = math.absf %get3A_54 : vector<16xf32>
      %add3A_56 = arith.constant 16 : i32
      %add3A_57 = arith.addi %mul3A_48, %add3A_56 : i32
      %swap3A_58 = arith.index_cast %add3A_57 : i32 to index
      %swap3A_59 = tpu.vector_load %arg4[%swap3A_58] {strides = array<i32>} : memref<32768xf32, #tpu.memory_space<vmem>>, vector<16xf32>,
      tpu.vector_store %arg4[%swap3A_58], %abs3A_55 {strides = array<i32>} : memref<32768xf32, #tpu.memory_space<vmem>>, vector<16xf32>,
      %max3A = arith.maximumf %abs3A, %abs3A_55 : vector<16xf32>
      %add3A_60 = arith.constant 32 : i32
      %add3A_61 = arith.addi %mul3A_48, %add3A_60 : i32
      %get3A_62 = arith.index_cast %add3A_61 : i32 to index
      %get3A_63 = tpu.vector_load %arg4[%get3A_62] {strides = array<i32>} : memref<32768xf32, #tpu.memory_space<vmem>>, vector<16xf32>,
      %abs3A_64 = math.absf %get3A_63 : vector<16xf32>
      %add3A_65 = arith.constant 32 : i32
      %add3A_66 = arith.addi %mul3A_48, %add3A_65 : i32
      %swap3A_67 = arith.index_cast %add3A_66 : i32 to index
      %swap3A_68 = tpu.vector_load %arg4[%swap3A_67] {strides = array<i32>} : memref<32768xf32, #tpu.memory_space<vmem>>, vector<16xf32>,
      tpu.vector_store %arg4[%swap3A_67], %abs3A_64 {strides = array<i32>} : memref<32768xf32, #tpu.memory_space<vmem>>, vector<16xf32>,
      %max3A_69 = arith.maximumf %max3A, %abs3A_64 : vector<16xf32>
      %add3A_70 = arith.constant 48 : i32
      %add3A_71 = arith.addi %mul3A_48, %add3A_70 : i32
      %get3A_72 = arith.index_cast %add3A_71 : i32 to index
      %get3A_73 = tpu.vector_load %arg4[%get3A_72] {strides = array<i32>} : memref<32768xf32, #tpu.memory_space<vmem>>, vector<16xf32>,
      %abs3A_74 = math.absf %get3A_73 : vector<16xf32>
      %add3A_75 = arith.constant 48 : i32
      %add3A_76 = arith.addi %mul3A_48, %add3A_75 : i32
      %swap3A_77 = arith.index_cast %add3A_76 : i32 to index
      %swap3A_78 = tpu.vector_load %arg4[%swap3A_77] {strides = array<i32>} : memref<32768xf32, #tpu.memory_space<vmem>>, vector<16xf32>,
      tpu.vector_store %arg4[%swap3A_77], %abs3A_74 {strides = array<i32>} : memref<32768xf32, #tpu.memory_space<vmem>>, vector<16xf32>,
      %max3A_79 = arith.maximumf %max3A_69, %abs3A_74 : vector<16xf32>
      %add3A_80 = arith.constant 64 : i32
      %add3A_81 = arith.addi %mul3A_48, %add3A_80 : i32
      %get3A_82 = arith.index_cast %add3A_81 : i32 to index
      %get3A_83 = tpu.vector_load %arg4[%get3A_82] {strides = array<i32>} : memref<32768xf32, #tpu.memory_space<vmem>>, vector<16xf32>,
      %abs3A_84 = math.absf %get3A_83 : vector<16xf32>
      %add3A_85 = arith.constant 64 : i32
      %add3A_86 = arith.addi %mul3A_48, %add3A_85 : i32
      %swap3A_87 = arith.index_cast %add3A_86 : i32 to index
      %swap3A_88 = tpu.vector_load %arg4[%swap3A_87] {strides = array<i32>} : memref<32768xf32, #tpu.memory_space<vmem>>, vector<16xf32>,
      tpu.vector_store %arg4[%swap3A_87], %abs3A_84 {strides = array<i32>} : memref<32768xf32, #tpu.memory_space<vmem>>, vector<16xf32>,
      %max3A_89 = arith.maximumf %max3A_79, %abs3A_84 : vector<16xf32>
      %add3A_90 = arith.constant 80 : i32
      %add3A_91 = arith.addi %mul3A_48, %add3A_90 : i32
      %get3A_92 = arith.index_cast %add3A_91 : i32 to index
      %get3A_93 = tpu.vector_load %arg4[%get3A_92] {strides = array<i32>} : memref<32768xf32, #tpu.memory_space<vmem>>, vector<16xf32>,
      %abs3A_94 = math.absf %get3A_93 : vector<16xf32>
      %add3A_95 = arith.constant 80 : i32
      %add3A_96 = arith.addi %mul3A_48, %add3A_95 : i32
      %swap3A_97 = arith.index_cast %add3A_96 : i32 to index
      %swap3A_98 = tpu.vector_load %arg4[%swap3A_97] {strides = array<i32>} : memref<32768xf32, #tpu.memory_space<vmem>>, vector<16xf32>,
      tpu.vector_store %arg4[%swap3A_97], %abs3A_94 {strides = array<i32>} : memref<32768xf32, #tpu.memory_space<vmem>>, vector<16xf32>,
      %max3A_99 = arith.maximumf %max3A_89, %abs3A_94 : vector<16xf32>
      %add3A_100 = arith.constant 96 : i32
      %add3A_101 = arith.addi %mul3A_48, %add3A_100 : i32
      %get3A_102 = arith.index_cast %add3A_101 : i32 to index
      %get3A_103 = tpu.vector_load %arg4[%get3A_102] {strides = array<i32>} : memref<32768xf32, #tpu.memory_space<vmem>>, vector<16xf32>,
      %abs3A_104 = math.absf %get3A_103 : vector<16xf32>
      %add3A_105 = arith.constant 96 : i32
      %add3A_106 = arith.addi %mul3A_48, %add3A_105 : i32
      %swap3A_107 = arith.index_cast %add3A_106 : i32 to index
      %swap3A_108 = tpu.vector_load %arg4[%swap3A_107] {strides = array<i32>} : memref<32768xf32, #tpu.memory_space<vmem>>, vector<16xf32>,
      tpu.vector_store %arg4[%swap3A_107], %abs3A_104 {strides = array<i32>} : memref<32768xf32, #tpu.memory_space<vmem>>, vector<16xf32>,
      %max3A_109 = arith.maximumf %max3A_99, %abs3A_104 : vector<16xf32>
      %add3A_110 = arith.constant 112 : i32
      %add3A_111 = arith.addi %mul3A_48, %add3A_110 : i32
      %get3A_112 = arith.index_cast %add3A_111 : i32 to index
      %get3A_113 = tpu.vector_load %arg4[%get3A_112] {strides = array<i32>} : memref<32768xf32, #tpu.memory_space<vmem>>, vector<16xf32>,
      %abs3A_114 = math.absf %get3A_113 : vector<16xf32>
      %add3A_115 = arith.constant 112 : i32
      %add3A_116 = arith.addi %mul3A_48, %add3A_115 : i32
      %swap3A_117 = arith.index_cast %add3A_116 : i32 to index
      %swap3A_118 = tpu.vector_load %arg4[%swap3A_117] {strides = array<i32>} : memref<32768xf32, #tpu.memory_space<vmem>>, vector<16xf32>,
      tpu.vector_store %arg4[%swap3A_117], %abs3A_114 {strides = array<i32>} : memref<32768xf32, #tpu.memory_space<vmem>>, vector<16xf32>,
      %max3A_119 = arith.maximumf %max3A_109, %abs3A_114 : vector<16xf32>
      %add3A_120 = arith.constant 128 : i32
      %add3A_121 = arith.addi %mul3A_48, %add3A_120 : i32
      %get3A_122 = arith.index_cast %add3A_121 : i32 to index
      %get3A_123 = tpu.vector_load %arg4[%get3A_122] {strides = array<i32>} : memref<32768xf32, #tpu.memory_space<vmem>>, vector<16xf32>,
      %abs3A_124 = math.absf %get3A_123 : vector<16xf32>
      %add3A_125 = arith.constant 128 : i32
      %add3A_126 = arith.addi %mul3A_48, %add3A_125 : i32
      %swap3A_127 = arith.index_cast %add3A_126 : i32 to index
      %swap3A_128 = tpu.vector_load %arg4[%swap3A_127] {strides = array<i32>} : memref<32768xf32, #tpu.memory_space<vmem>>, vector<16xf32>,
      tpu.vector_store %arg4[%swap3A_127], %abs3A_124 {strides = array<i32>} : memref<32768xf32, #tpu.memory_space<vmem>>, vector<16xf32>,
      %max3A_129 = arith.maximumf %max3A_119, %abs3A_124 : vector<16xf32>
      %add3A_130 = arith.constant 144 : i32
      %add3A_131 = arith.addi %mul3A_48, %add3A_130 : i32
      %get3A_132 = arith.index_cast %add3A_131 : i32 to index
      %get3A_133 = tpu.vector_load %arg4[%get3A_132] {strides = array<i32>} : memref<32768xf32, #tpu.memory_space<vmem>>, vector<16xf32>,
      %abs3A_134 = math.absf %get3A_133 : vector<16xf32>
      %add3A_135 = arith.constant 144 : i32
      %add3A_136 = arith.addi %mul3A_48, %add3A_135 : i32
      %swap3A_137 = arith.index_cast %add3A_136 : i32 to index
      %swap3A_138 = tpu.vector_load %arg4[%swap3A_137] {strides = array<i32>} : memref<32768xf32, #tpu.memory_space<vmem>>, vector<16xf32>,
      tpu.vector_store %arg4[%swap3A_137], %abs3A_134 {strides = array<i32>} : memref<32768xf32, #tpu.memory_space<vmem>>, vector<16xf32>,
      %max3A_139 = arith.maximumf %max3A_129, %abs3A_134 : vector<16xf32>
      %add3A_140 = arith.constant 160 : i32
      %add3A_141 = arith.addi %mul3A_48, %add3A_140 : i32
      %get3A_142 = arith.index_cast %add3A_141 : i32 to index
      %get3A_143 = tpu.vector_load %arg4[%get3A_142] {strides = array<i32>} : memref<32768xf32, #tpu.memory_space<vmem>>, vector<16xf32>,
      %abs3A_144 = math.absf %get3A_143 : vector<16xf32>
      %add3A_145 = arith.constant 160 : i32
      %add3A_146 = arith.addi %mul3A_48, %add3A_145 : i32
      %swap3A_147 = arith.index_cast %add3A_146 : i32 to index
      %swap3A_148 = tpu.vector_load %arg4[%swap3A_147] {strides = array<i32>} : memref<32768xf32, #tpu.memory_space<vmem>>, vector<16xf32>,
      tpu.vector_store %arg4[%swap3A_147], %abs3A_144 {strides = array<i32>} : memref<32768xf32, #tpu.memory_space<vmem>>, vector<16xf32>,
      %max3A_149 = arith.maximumf %max3A_139, %abs3A_144 : vector<16xf32>
      %add3A_150 = arith.constant 176 : i32
      %add3A_151 = arith.addi %mul3A_48, %add3A_150 : i32
      %get3A_152 = arith.index_cast %add3A_151 : i32 to index
      %get3A_153 = tpu.vector_load %arg4[%get3A_152] {strides = array<i32>} : memref<32768xf32, #tpu.memory_space<vmem>>, vector<16xf32>,
      %abs3A_154 = math.absf %get3A_153 : vector<16xf32>
      %add3A_155 = arith.constant 176 : i32
      %add3A_156 = arith.addi %mul3A_48, %add3A_155 : i32
      %swap3A_157 = arith.index_cast %add3A_156 : i32 to index
      %swap3A_158 = tpu.vector_load %arg4[%swap3A_157] {strides = array<i32>} : memref<32768xf32, #tpu.memory_space<vmem>>, vector<16xf32>,
      tpu.vector_store %arg4[%swap3A_157], %abs3A_154 {strides = array<i32>} : memref<32768xf32, #tpu.memory_space<vmem>>, vector<16xf32>,
      %max3A_159 = arith.maximumf %max3A_149, %abs3A_154 : vector<16xf32>
      %add3A_160 = arith.constant 192 : i32
      %add3A_161 = arith.addi %mul3A_48, %add3A_160 : i32
      %get3A_162 = arith.index_cast %add3A_161 : i32 to index
      %get3A_163 = tpu.vector_load %arg4[%get3A_162] {strides = array<i32>} : memref<32768xf32, #tpu.memory_space<vmem>>, vector<16xf32>,
      %abs3A_164 = math.absf %get3A_163 : vector<16xf32>
      %add3A_165 = arith.constant 192 : i32
      %add3A_166 = arith.addi %mul3A_48, %add3A_165 : i32
      %swap3A_167 = arith.index_cast %add3A_166 : i32 to index
      %swap3A_168 = tpu.vector_load %arg4[%swap3A_167] {strides = array<i32>} : memref<32768xf32, #tpu.memory_space<vmem>>, vector<16xf32>,
      tpu.vector_store %arg4[%swap3A_167], %abs3A_164 {strides = array<i32>} : memref<32768xf32, #tpu.memory_space<vmem>>, vector<16xf32>,
      %max3A_169 = arith.maximumf %max3A_159, %abs3A_164 : vector<16xf32>
      %add3A_170 = arith.constant 208 : i32
      %add3A_171 = arith.addi %mul3A_48, %add3A_170 : i32
      %get3A_172 = arith.index_cast %add3A_171 : i32 to index
      %get3A_173 = tpu.vector_load %arg4[%get3A_172] {strides = array<i32>} : memref<32768xf32, #tpu.memory_space<vmem>>, vector<16xf32>,
      %abs3A_174 = math.absf %get3A_173 : vector<16xf32>
      %add3A_175 = arith.constant 208 : i32
      %add3A_176 = arith.addi %mul3A_48, %add3A_175 : i32
      %swap3A_177 = arith.index_cast %add3A_176 : i32 to index
      %swap3A_178 = tpu.vector_load %arg4[%swap3A_177] {strides = array<i32>} : memref<32768xf32, #tpu.memory_space<vmem>>, vector<16xf32>,
      tpu.vector_store %arg4[%swap3A_177], %abs3A_174 {strides = array<i32>} : memref<32768xf32, #tpu.memory_space<vmem>>, vector<16xf32>,
      %max3A_179 = arith.maximumf %max3A_169, %abs3A_174 : vector<16xf32>
      %add3A_180 = arith.constant 224 : i32
      %add3A_181 = arith.addi %mul3A_48, %add3A_180 : i32
      %get3A_182 = arith.index_cast %add3A_181 : i32 to index
      %get3A_183 = tpu.vector_load %arg4[%get3A_182] {strides = array<i32>} : memref<32768xf32, #tpu.memory_space<vmem>>, vector<16xf32>,
      %abs3A_184 = math.absf %get3A_183 : vector<16xf32>
      %add3A_185 = arith.constant 224 : i32
      %add3A_186 = arith.addi %mul3A_48, %add3A_185 : i32
      %swap3A_187 = arith.index_cast %add3A_186 : i32 to index
      %swap3A_188 = tpu.vector_load %arg4[%swap3A_187] {strides = array<i32>} : memref<32768xf32, #tpu.memory_space<vmem>>, vector<16xf32>,
      tpu.vector_store %arg4[%swap3A_187], %abs3A_184 {strides = array<i32>} : memref<32768xf32, #tpu.memory_space<vmem>>, vector<16xf32>,
      %max3A_189 = arith.maximumf %max3A_179, %abs3A_184 : vector<16xf32>
      %add3A_190 = arith.constant 240 : i32
      %add3A_191 = arith.addi %mul3A_48, %add3A_190 : i32
      %get3A_192 = arith.index_cast %add3A_191 : i32 to index
      %get3A_193 = tpu.vector_load %arg4[%get3A_192] {strides = array<i32>} : memref<32768xf32, #tpu.memory_space<vmem>>, vector<16xf32>,
      %abs3A_194 = math.absf %get3A_193 : vector<16xf32>
      %add3A_195 = arith.constant 240 : i32
      %add3A_196 = arith.addi %mul3A_48, %add3A_195 : i32
      %swap3A_197 = arith.index_cast %add3A_196 : i32 to index
      %swap3A_198 = tpu.vector_load %arg4[%swap3A_197] {strides = array<i32>} : memref<32768xf32, #tpu.memory_space<vmem>>, vector<16xf32>,
      tpu.vector_store %arg4[%swap3A_197], %abs3A_194 {strides = array<i32>} : memref<32768xf32, #tpu.memory_space<vmem>>, vector<16xf32>,
      %max3A_199 = arith.maximumf %max3A_189, %abs3A_194 : vector<16xf32>
      %mul3A_200 = arith.constant 16 : i32
      %mul3A_201 = arith.muli %scan3A_45, %mul3A_200 : i32
      %swap3A_202 = arith.index_cast %mul3A_201 : i32 to index
      %swap3A_203 = tpu.vector_load %arg6[%swap3A_202] {strides = array<i32>} : memref<2048xf32, #tpu.memory_space<vmem>>, vector<16xf32>,
      tpu.vector_store %arg6[%swap3A_202], %max3A_199 {strides = array<i32>} : memref<2048xf32, #tpu.memory_space<vmem>>, vector<16xf32>,
      %scan3A_204 = arith.constant 0 : i32
      scf.yield %scan3A_204 : i32
    }
    %scan3A_24 = arith.constant 128 : i32
    %scan3A_25 = arith.constant 0 : i32
    %scan3A_26 = arith.constant 0 : i32
    %scan3A_27 = arith.constant 8 : i32
    %scan3A_28 = arith.addi %scan3A_26, %scan3A_27 : i32
    %scan3A_29 = arith.constant 1 : i32
    %scan3A_30 = scf.for %scan3A_45 = %scan3A_26 to %scan3A_28 step %scan3A_29 iter_args(%scan3A_46 = %scan3A_25) -> (i32)  : i32 {
      %mul3A_47 = arith.constant 256 : i32
      %mul3A_48 = arith.muli %scan3A_45, %mul3A_47 : i32
      %get3A = arith.index_cast %mul3A_48 : i32 to index
      %get3A_49 = tpu.vector_load %arg6[%get3A] {strides = array<i32>} : memref<2048xf32, #tpu.memory_space<vmem>>, vector<16xf32>,
      %mul3A_50 = arith.constant 256 : i32
      %mul3A_51 = arith.muli %scan3A_45, %mul3A_50 : i32
      %add3A_52 = arith.constant 16 : i32
      %add3A_53 = arith.addi %mul3A_51, %add3A_52 : i32
      %get3A_54 = arith.index_cast %add3A_53 : i32 to index
      %get3A_55 = tpu.vector_load %arg6[%get3A_54] {strides = array<i32>} : memref<2048xf32, #tpu.memory_space<vmem>>, vector<16xf32>,
      %max3A = arith.maximumf %get3A_49, %get3A_55 : vector<16xf32>
      %mul3A_56 = arith.constant 256 : i32
      %mul3A_57 = arith.muli %scan3A_45, %mul3A_56 : i32
      %add3A_58 = arith.constant 32 : i32
      %add3A_59 = arith.addi %mul3A_57, %add3A_58 : i32
      %get3A_60 = arith.index_cast %add3A_59 : i32 to index
      %get3A_61 = tpu.vector_load %arg6[%get3A_60] {strides = array<i32>} : memref<2048xf32, #tpu.memory_space<vmem>>, vector<16xf32>,
      %max3A_62 = arith.maximumf %max3A, %get3A_61 : vector<16xf32>
      %mul3A_63 = arith.constant 256 : i32
      %mul3A_64 = arith.muli %scan3A_45, %mul3A_63 : i32
      %add3A_65 = arith.constant 48 : i32
      %add3A_66 = arith.addi %mul3A_64, %add3A_65 : i32
      %get3A_67 = arith.index_cast %add3A_66 : i32 to index
      %get3A_68 = tpu.vector_load %arg6[%get3A_67] {strides = array<i32>} : memref<2048xf32, #tpu.memory_space<vmem>>, vector<16xf32>,
      %max3A_69 = arith.maximumf %max3A_62, %get3A_68 : vector<16xf32>
      %mul3A_70 = arith.constant 256 : i32
      %mul3A_71 = arith.muli %scan3A_45, %mul3A_70 : i32
      %add3A_72 = arith.constant 64 : i32
      %add3A_73 = arith.addi %mul3A_71, %add3A_72 : i32
      %get3A_74 = arith.index_cast %add3A_73 : i32 to index
      %get3A_75 = tpu.vector_load %arg6[%get3A_74] {strides = array<i32>} : memref<2048xf32, #tpu.memory_space<vmem>>, vector<16xf32>,
      %max3A_76 = arith.maximumf %max3A_69, %get3A_75 : vector<16xf32>
      %mul3A_77 = arith.constant 256 : i32
      %mul3A_78 = arith.muli %scan3A_45, %mul3A_77 : i32
      %add3A_79 = arith.constant 80 : i32
      %add3A_80 = arith.addi %mul3A_78, %add3A_79 : i32
      %get3A_81 = arith.index_cast %add3A_80 : i32 to index
      %get3A_82 = tpu.vector_load %arg6[%get3A_81] {strides = array<i32>} : memref<2048xf32, #tpu.memory_space<vmem>>, vector<16xf32>,
      %max3A_83 = arith.maximumf %max3A_76, %get3A_82 : vector<16xf32>
      %mul3A_84 = arith.constant 256 : i32
      %mul3A_85 = arith.muli %scan3A_45, %mul3A_84 : i32
      %add3A_86 = arith.constant 96 : i32
      %add3A_87 = arith.addi %mul3A_85, %add3A_86 : i32
      %get3A_88 = arith.index_cast %add3A_87 : i32 to index
      %get3A_89 = tpu.vector_load %arg6[%get3A_88] {strides = array<i32>} : memref<2048xf32, #tpu.memory_space<vmem>>, vector<16xf32>,
      %max3A_90 = arith.maximumf %max3A_83, %get3A_89 : vector<16xf32>
      %mul3A_91 = arith.constant 256 : i32
      %mul3A_92 = arith.muli %scan3A_45, %mul3A_91 : i32
      %add3A_93 = arith.constant 112 : i32
      %add3A_94 = arith.addi %mul3A_92, %add3A_93 : i32
      %get3A_95 = arith.index_cast %add3A_94 : i32 to index
      %get3A_96 = tpu.vector_load %arg6[%get3A_95] {strides = array<i32>} : memref<2048xf32, #tpu.memory_space<vmem>>, vector<16xf32>,
      %max3A_97 = arith.maximumf %max3A_90, %get3A_96 : vector<16xf32>
      %mul3A_98 = arith.constant 256 : i32
      %mul3A_99 = arith.muli %scan3A_45, %mul3A_98 : i32
      %add3A_100 = arith.constant 128 : i32
      %add3A_101 = arith.addi %mul3A_99, %add3A_100 : i32
      %get3A_102 = arith.index_cast %add3A_101 : i32 to index
      %get3A_103 = tpu.vector_load %arg6[%get3A_102] {strides = array<i32>} : memref<2048xf32, #tpu.memory_space<vmem>>, vector<16xf32>,
      %max3A_104 = arith.maximumf %max3A_97, %get3A_103 : vector<16xf32>
      %mul3A_105 = arith.constant 256 : i32
      %mul3A_106 = arith.muli %scan3A_45, %mul3A_105 : i32
      %add3A_107 = arith.constant 144 : i32
      %add3A_108 = arith.addi %mul3A_106, %add3A_107 : i32
      %get3A_109 = arith.index_cast %add3A_108 : i32 to index
      %get3A_110 = tpu.vector_load %arg6[%get3A_109] {strides = array<i32>} : memref<2048xf32, #tpu.memory_space<vmem>>, vector<16xf32>,
      %max3A_111 = arith.maximumf %max3A_104, %get3A_110 : vector<16xf32>
      %mul3A_112 = arith.constant 256 : i32
      %mul3A_113 = arith.muli %scan3A_45, %mul3A_112 : i32
      %add3A_114 = arith.constant 160 : i32
      %add3A_115 = arith.addi %mul3A_113, %add3A_114 : i32
      %get3A_116 = arith.index_cast %add3A_115 : i32 to index
      %get3A_117 = tpu.vector_load %arg6[%get3A_116] {strides = array<i32>} : memref<2048xf32, #tpu.memory_space<vmem>>, vector<16xf32>,
      %max3A_118 = arith.maximumf %max3A_111, %get3A_117 : vector<16xf32>
      %mul3A_119 = arith.constant 256 : i32
      %mul3A_120 = arith.muli %scan3A_45, %mul3A_119 : i32
      %add3A_121 = arith.constant 176 : i32
      %add3A_122 = arith.addi %mul3A_120, %add3A_121 : i32
      %get3A_123 = arith.index_cast %add3A_122 : i32 to index
      %get3A_124 = tpu.vector_load %arg6[%get3A_123] {strides = array<i32>} : memref<2048xf32, #tpu.memory_space<vmem>>, vector<16xf32>,
      %max3A_125 = arith.maximumf %max3A_118, %get3A_124 : vector<16xf32>
      %mul3A_126 = arith.constant 256 : i32
      %mul3A_127 = arith.muli %scan3A_45, %mul3A_126 : i32
      %add3A_128 = arith.constant 192 : i32
      %add3A_129 = arith.addi %mul3A_127, %add3A_128 : i32
      %get3A_130 = arith.index_cast %add3A_129 : i32 to index
      %get3A_131 = tpu.vector_load %arg6[%get3A_130] {strides = array<i32>} : memref<2048xf32, #tpu.memory_space<vmem>>, vector<16xf32>,
      %max3A_132 = arith.maximumf %max3A_125, %get3A_131 : vector<16xf32>
      %mul3A_133 = arith.constant 256 : i32
      %mul3A_134 = arith.muli %scan3A_45, %mul3A_133 : i32
      %add3A_135 = arith.constant 208 : i32
      %add3A_136 = arith.addi %mul3A_134, %add3A_135 : i32
      %get3A_137 = arith.index_cast %add3A_136 : i32 to index
      %get3A_138 = tpu.vector_load %arg6[%get3A_137] {strides = array<i32>} : memref<2048xf32, #tpu.memory_space<vmem>>, vector<16xf32>,
      %max3A_139 = arith.maximumf %max3A_132, %get3A_138 : vector<16xf32>
      %mul3A_140 = arith.constant 256 : i32
      %mul3A_141 = arith.muli %scan3A_45, %mul3A_140 : i32
      %add3A_142 = arith.constant 224 : i32
      %add3A_143 = arith.addi %mul3A_141, %add3A_142 : i32
      %get3A_144 = arith.index_cast %add3A_143 : i32 to index
      %get3A_145 = tpu.vector_load %arg6[%get3A_144] {strides = array<i32>} : memref<2048xf32, #tpu.memory_space<vmem>>, vector<16xf32>,
      %max3A_146 = arith.maximumf %max3A_139, %get3A_145 : vector<16xf32>
      %mul3A_147 = arith.constant 256 : i32
      %mul3A_148 = arith.muli %scan3A_45, %mul3A_147 : i32
      %add3A_149 = arith.constant 240 : i32
      %add3A_150 = arith.addi %mul3A_148, %add3A_149 : i32
      %get3A_151 = arith.index_cast %add3A_150 : i32 to index
      %get3A_152 = tpu.vector_load %arg6[%get3A_151] {strides = array<i32>} : memref<2048xf32, #tpu.memory_space<vmem>>, vector<16xf32>,
      %max3A_153 = arith.maximumf %max3A_146, %get3A_152 : vector<16xf32>
      %mul3A_154 = arith.constant 16 : i32
      %mul3A_155 = arith.muli %scan3A_45, %mul3A_154 : i32
      %swap3A = arith.index_cast %mul3A_155 : i32 to index
      %swap3A_156 = tpu.vector_load %arg7[%swap3A] {strides = array<i32>} : memref<128xf32, #tpu.memory_space<vmem>>, vector<16xf32>,
      tpu.vector_store %arg7[%swap3A], %max3A_153 {strides = array<i32>} : memref<128xf32, #tpu.memory_space<vmem>>, vector<16xf32>,
      %scan3A_157 = arith.constant 0 : i32
      scf.yield %scan3A_157 : i32
    }
    %scan3A_31 = arith.constant 8 : i32
    %broadcast_in_dim3A_32 = arith.constant 0 : i32
    %broadcast_in_dim3A_33 = vector.broadcast %broadcast_in_dim3A_32 : i32 to vector<16xi32>
    %scan3A_34 = arith.constant 0 : i32
    %scan3A_35 = arith.constant 31 : i32
    %scan3A_36 = arith.addi %scan3A_34, %scan3A_35 : i32
    %scan3A_37 = arith.constant 1 : i32
    %scan3A_38:2 = scf.for %scan3A_45 = %scan3A_34 to %scan3A_36 step %scan3A_37 iter_args(%scan3A_46 = %broadcast_in_dim3A_33, %scan3A_47 = %broadcast_in_dim3A_33) -> (vector<16xi32>, vector<16xi32>)  : i32 {
      %get3A = arith.constant 0 : index
      %get3A_48 = tpu.vector_load %arg7[%get3A] {strides = array<i32>} : memref<128xf32, #tpu.memory_space<vmem>>, vector<16xf32>,
      %get3A_49 = arith.constant 16 : index
      %get3A_50 = tpu.vector_load %arg7[%get3A_49] {strides = array<i32>} : memref<128xf32, #tpu.memory_space<vmem>>, vector<16xf32>,
      %max3A = arith.maximumf %get3A_48, %get3A_50 : vector<16xf32>
      %get3A_51 = arith.constant 32 : index
      %get3A_52 = tpu.vector_load %arg7[%get3A_51] {strides = array<i32>} : memref<128xf32, #tpu.memory_space<vmem>>, vector<16xf32>,
      %max3A_53 = arith.maximumf %max3A, %get3A_52 : vector<16xf32>
      %get3A_54 = arith.constant 48 : index
      %get3A_55 = tpu.vector_load %arg7[%get3A_54] {strides = array<i32>} : memref<128xf32, #tpu.memory_space<vmem>>, vector<16xf32>,
      %max3A_56 = arith.maximumf %max3A_53, %get3A_55 : vector<16xf32>
      %get3A_57 = arith.constant 64 : index
      %get3A_58 = tpu.vector_load %arg7[%get3A_57] {strides = array<i32>} : memref<128xf32, #tpu.memory_space<vmem>>, vector<16xf32>,
      %max3A_59 = arith.maximumf %max3A_56, %get3A_58 : vector<16xf32>
      %get3A_60 = arith.constant 80 : index
      %get3A_61 = tpu.vector_load %arg7[%get3A_60] {strides = array<i32>} : memref<128xf32, #tpu.memory_space<vmem>>, vector<16xf32>,
      %max3A_62 = arith.maximumf %max3A_59, %get3A_61 : vector<16xf32>
      %get3A_63 = arith.constant 96 : index
      %get3A_64 = tpu.vector_load %arg7[%get3A_63] {strides = array<i32>} : memref<128xf32, #tpu.memory_space<vmem>>, vector<16xf32>,
      %max3A_65 = arith.maximumf %max3A_62, %get3A_64 : vector<16xf32>
      %get3A_66 = arith.constant 112 : index
      %get3A_67 = tpu.vector_load %arg7[%get3A_66] {strides = array<i32>} : memref<128xf32, #tpu.memory_space<vmem>>, vector<16xf32>,
      %max3A_68 = arith.maximumf %max3A_65, %get3A_67 : vector<16xf32>
      %reduce_max3A = arith.constant true
      %reduce_max3A_69 = vector.broadcast %reduce_max3A : i1 to vector<16xi1>
      %reduce_max3A_70 = tpu.scan <max>, %max3A_68 masked %reduce_max3A_69 : vector<16xf32>, vector<16xi1> -> vector<16xf32>
      %reduce_max3A_71 = vector.extract %reduce_max3A_70[15] : f32 from vector<16xf32>
      %broadcast_in_dim3A_72 = arith.constant 1073741824 : i32
      %broadcast_in_dim3A_73 = vector.broadcast %broadcast_in_dim3A_72 : i32 to vector<16xi32>
      %get3A_74 = arith.constant 0 : index
      %get3A_75 = tpu.vector_load %arg7[%get3A_74] {strides = array<i32>} : memref<128xf32, #tpu.memory_space<vmem>>, vector<16xf32>,
      %eq3A = vector.broadcast %reduce_max3A_71 : f32 to vector<16xf32>
      %eq3A_76 = arith.cmpf oeq, %get3A_75, %eq3A : vector<16xf32>
      %add3A_77 = arith.constant 0 : i32
      %add3A_78 = vector.broadcast %add3A_77 : i32 to vector<16xi32>
      %add3A_79 = arith.addi %add3A_78, %iota3A : vector<16xi32>
      %select_n3A = arith.select %eq3A_76, %add3A_79, %broadcast_in_dim3A_73 : vector<16xi1>, vector<16xi32>
      %min3A = arith.minsi %broadcast_in_dim3A_73, %select_n3A : vector<16xi32>
      %get3A_80 = arith.constant 16 : index
      %get3A_81 = tpu.vector_load %arg7[%get3A_80] {strides = array<i32>} : memref<128xf32, #tpu.memory_space<vmem>>, vector<16xf32>,
      %eq3A_82 = vector.broadcast %reduce_max3A_71 : f32 to vector<16xf32>
      %eq3A_83 = arith.cmpf oeq, %get3A_81, %eq3A_82 : vector<16xf32>
      %add3A_84 = arith.constant 16 : i32
      %add3A_85 = vector.broadcast %add3A_84 : i32 to vector<16xi32>
      %add3A_86 = arith.addi %add3A_85, %iota3A : vector<16xi32>
      %select_n3A_87 = arith.select %eq3A_83, %add3A_86, %broadcast_in_dim3A_73 : vector<16xi1>, vector<16xi32>
      %min3A_88 = arith.minsi %min3A, %select_n3A_87 : vector<16xi32>
      %get3A_89 = arith.constant 32 : index
      %get3A_90 = tpu.vector_load %arg7[%get3A_89] {strides = array<i32>} : memref<128xf32, #tpu.memory_space<vmem>>, vector<16xf32>,
      %eq3A_91 = vector.broadcast %reduce_max3A_71 : f32 to vector<16xf32>
      %eq3A_92 = arith.cmpf oeq, %get3A_90, %eq3A_91 : vector<16xf32>
      %add3A_93 = arith.constant 32 : i32
      %add3A_94 = vector.broadcast %add3A_93 : i32 to vector<16xi32>
      %add3A_95 = arith.addi %add3A_94, %iota3A : vector<16xi32>
      %select_n3A_96 = arith.select %eq3A_92, %add3A_95, %broadcast_in_dim3A_73 : vector<16xi1>, vector<16xi32>
      %min3A_97 = arith.minsi %min3A_88, %select_n3A_96 : vector<16xi32>
      %get3A_98 = arith.constant 48 : index
      %get3A_99 = tpu.vector_load %arg7[%get3A_98] {strides = array<i32>} : memref<128xf32, #tpu.memory_space<vmem>>, vector<16xf32>,
      %eq3A_100 = vector.broadcast %reduce_max3A_71 : f32 to vector<16xf32>
      %eq3A_101 = arith.cmpf oeq, %get3A_99, %eq3A_100 : vector<16xf32>
      %add3A_102 = arith.constant 48 : i32
      %add3A_103 = vector.broadcast %add3A_102 : i32 to vector<16xi32>
      %add3A_104 = arith.addi %add3A_103, %iota3A : vector<16xi32>
      %select_n3A_105 = arith.select %eq3A_101, %add3A_104, %broadcast_in_dim3A_73 : vector<16xi1>, vector<16xi32>
      %min3A_106 = arith.minsi %min3A_97, %select_n3A_105 : vector<16xi32>
      %get3A_107 = arith.constant 64 : index
      %get3A_108 = tpu.vector_load %arg7[%get3A_107] {strides = array<i32>} : memref<128xf32, #tpu.memory_space<vmem>>, vector<16xf32>,
      %eq3A_109 = vector.broadcast %reduce_max3A_71 : f32 to vector<16xf32>
      %eq3A_110 = arith.cmpf oeq, %get3A_108, %eq3A_109 : vector<16xf32>
      %add3A_111 = arith.constant 64 : i32
      %add3A_112 = vector.broadcast %add3A_111 : i32 to vector<16xi32>
      %add3A_113 = arith.addi %add3A_112, %iota3A : vector<16xi32>
      %select_n3A_114 = arith.select %eq3A_110, %add3A_113, %broadcast_in_dim3A_73 : vector<16xi1>, vector<16xi32>
      %min3A_115 = arith.minsi %min3A_106, %select_n3A_114 : vector<16xi32>
      %get3A_116 = arith.constant 80 : index
      %get3A_117 = tpu.vector_load %arg7[%get3A_116] {strides = array<i32>} : memref<128xf32, #tpu.memory_space<vmem>>, vector<16xf32>,
      %eq3A_118 = vector.broadcast %reduce_max3A_71 : f32 to vector<16xf32>
      %eq3A_119 = arith.cmpf oeq, %get3A_117, %eq3A_118 : vector<16xf32>
      %add3A_120 = arith.constant 80 : i32
      %add3A_121 = vector.broadcast %add3A_120 : i32 to vector<16xi32>
      %add3A_122 = arith.addi %add3A_121, %iota3A : vector<16xi32>
      %select_n3A_123 = arith.select %eq3A_119, %add3A_122, %broadcast_in_dim3A_73 : vector<16xi1>, vector<16xi32>
      %min3A_124 = arith.minsi %min3A_115, %select_n3A_123 : vector<16xi32>
      %get3A_125 = arith.constant 96 : index
      %get3A_126 = tpu.vector_load %arg7[%get3A_125] {strides = array<i32>} : memref<128xf32, #tpu.memory_space<vmem>>, vector<16xf32>,
      %eq3A_127 = vector.broadcast %reduce_max3A_71 : f32 to vector<16xf32>
      %eq3A_128 = arith.cmpf oeq, %get3A_126, %eq3A_127 : vector<16xf32>
      %add3A_129 = arith.constant 96 : i32
      %add3A_130 = vector.broadcast %add3A_129 : i32 to vector<16xi32>
      %add3A_131 = arith.addi %add3A_130, %iota3A : vector<16xi32>
      %select_n3A_132 = arith.select %eq3A_128, %add3A_131, %broadcast_in_dim3A_73 : vector<16xi1>, vector<16xi32>
      %min3A_133 = arith.minsi %min3A_124, %select_n3A_132 : vector<16xi32>
      %get3A_134 = arith.constant 112 : index
      %get3A_135 = tpu.vector_load %arg7[%get3A_134] {strides = array<i32>} : memref<128xf32, #tpu.memory_space<vmem>>, vector<16xf32>,
      %eq3A_136 = vector.broadcast %reduce_max3A_71 : f32 to vector<16xf32>
      %eq3A_137 = arith.cmpf oeq, %get3A_135, %eq3A_136 : vector<16xf32>
      %add3A_138 = arith.constant 112 : i32
      %add3A_139 = vector.broadcast %add3A_138 : i32 to vector<16xi32>
      %add3A_140 = arith.addi %add3A_139, %iota3A : vector<16xi32>
      %select_n3A_141 = arith.select %eq3A_137, %add3A_140, %broadcast_in_dim3A_73 : vector<16xi1>, vector<16xi32>
      %min3A_142 = arith.minsi %min3A_133, %select_n3A_141 : vector<16xi32>
      %reduce_min3A = arith.constant true
      %reduce_min3A_143 = vector.broadcast %reduce_min3A : i1 to vector<16xi1>
      %reduce_min3A_144 = arith.constant -2147483648 : i32
      %reduce_min3A_145 = vector.broadcast %reduce_min3A_144 : i32 to vector<16xi32>
      %reduce_min3A_146 = arith.xori %min3A_142, %reduce_min3A_145 : vector<16xi32>
      %reduce_min3A_147 = tpu.scan <min>, %reduce_min3A_146 masked %reduce_min3A_143 : vector<16xi32>, vector<16xi1> -> vector<16xi32>
      %reduce_min3A_148 = arith.xori %reduce_min3A_147, %reduce_min3A_145 : vector<16xi32>
      %reduce_min3A_149 = vector.extract %reduce_min3A_148[15] : i32 from vector<16xi32>
      %shift_right_logical3A = arith.constant 4 : i32
      %shift_right_logical3A_150 = arith.shrui %reduce_min3A_149, %shift_right_logical3A : i32
      %mul3A_151 = arith.constant 256 : i32
      %mul3A_152 = arith.muli %shift_right_logical3A_150, %mul3A_151 : i32
      %add3A_153 = arith.constant 0 : i32
      %add3A_154 = arith.addi %mul3A_152, %add3A_153 : i32
      %get3A_155 = arith.index_cast %add3A_154 : i32 to index
      %get3A_156 = tpu.vector_load %arg6[%get3A_155] {strides = array<i32>} : memref<2048xf32, #tpu.memory_space<vmem>>, vector<16xf32>,
      %eq3A_157 = vector.broadcast %reduce_max3A_71 : f32 to vector<16xf32>
      %eq3A_158 = arith.cmpf oeq, %get3A_156, %eq3A_157 : vector<16xf32>
      %add3A_159 = arith.constant 0 : i32
      %add3A_160 = vector.broadcast %add3A_159 : i32 to vector<16xi32>
      %add3A_161 = arith.addi %add3A_160, %iota3A : vector<16xi32>
      %select_n3A_162 = arith.select %eq3A_158, %add3A_161, %broadcast_in_dim3A_73 : vector<16xi1>, vector<16xi32>
      %min3A_163 = arith.minsi %broadcast_in_dim3A_73, %select_n3A_162 : vector<16xi32>
      %mul3A_164 = arith.constant 256 : i32
      %mul3A_165 = arith.muli %shift_right_logical3A_150, %mul3A_164 : i32
      %add3A_166 = arith.constant 16 : i32
      %add3A_167 = arith.addi %mul3A_165, %add3A_166 : i32
      %get3A_168 = arith.index_cast %add3A_167 : i32 to index
      %get3A_169 = tpu.vector_load %arg6[%get3A_168] {strides = array<i32>} : memref<2048xf32, #tpu.memory_space<vmem>>, vector<16xf32>,
      %eq3A_170 = vector.broadcast %reduce_max3A_71 : f32 to vector<16xf32>
      %eq3A_171 = arith.cmpf oeq, %get3A_169, %eq3A_170 : vector<16xf32>
      %add3A_172 = arith.constant 16 : i32
      %add3A_173 = vector.broadcast %add3A_172 : i32 to vector<16xi32>
      %add3A_174 = arith.addi %add3A_173, %iota3A : vector<16xi32>
      %select_n3A_175 = arith.select %eq3A_171, %add3A_174, %broadcast_in_dim3A_73 : vector<16xi1>, vector<16xi32>
      %min3A_176 = arith.minsi %min3A_163, %select_n3A_175 : vector<16xi32>
      %mul3A_177 = arith.constant 256 : i32
      %mul3A_178 = arith.muli %shift_right_logical3A_150, %mul3A_177 : i32
      %add3A_179 = arith.constant 32 : i32
      %add3A_180 = arith.addi %mul3A_178, %add3A_179 : i32
      %get3A_181 = arith.index_cast %add3A_180 : i32 to index
      %get3A_182 = tpu.vector_load %arg6[%get3A_181] {strides = array<i32>} : memref<2048xf32, #tpu.memory_space<vmem>>, vector<16xf32>,
      %eq3A_183 = vector.broadcast %reduce_max3A_71 : f32 to vector<16xf32>
      %eq3A_184 = arith.cmpf oeq, %get3A_182, %eq3A_183 : vector<16xf32>
      %add3A_185 = arith.constant 32 : i32
      %add3A_186 = vector.broadcast %add3A_185 : i32 to vector<16xi32>
      %add3A_187 = arith.addi %add3A_186, %iota3A : vector<16xi32>
      %select_n3A_188 = arith.select %eq3A_184, %add3A_187, %broadcast_in_dim3A_73 : vector<16xi1>, vector<16xi32>
      %min3A_189 = arith.minsi %min3A_176, %select_n3A_188 : vector<16xi32>
      %mul3A_190 = arith.constant 256 : i32
      %mul3A_191 = arith.muli %shift_right_logical3A_150, %mul3A_190 : i32
      %add3A_192 = arith.constant 48 : i32
      %add3A_193 = arith.addi %mul3A_191, %add3A_192 : i32
      %get3A_194 = arith.index_cast %add3A_193 : i32 to index
      %get3A_195 = tpu.vector_load %arg6[%get3A_194] {strides = array<i32>} : memref<2048xf32, #tpu.memory_space<vmem>>, vector<16xf32>,
      %eq3A_196 = vector.broadcast %reduce_max3A_71 : f32 to vector<16xf32>
      %eq3A_197 = arith.cmpf oeq, %get3A_195, %eq3A_196 : vector<16xf32>
      %add3A_198 = arith.constant 48 : i32
      %add3A_199 = vector.broadcast %add3A_198 : i32 to vector<16xi32>
      %add3A_200 = arith.addi %add3A_199, %iota3A : vector<16xi32>
      %select_n3A_201 = arith.select %eq3A_197, %add3A_200, %broadcast_in_dim3A_73 : vector<16xi1>, vector<16xi32>
      %min3A_202 = arith.minsi %min3A_189, %select_n3A_201 : vector<16xi32>
      %mul3A_203 = arith.constant 256 : i32
      %mul3A_204 = arith.muli %shift_right_logical3A_150, %mul3A_203 : i32
      %add3A_205 = arith.constant 64 : i32
      %add3A_206 = arith.addi %mul3A_204, %add3A_205 : i32
      %get3A_207 = arith.index_cast %add3A_206 : i32 to index
      %get3A_208 = tpu.vector_load %arg6[%get3A_207] {strides = array<i32>} : memref<2048xf32, #tpu.memory_space<vmem>>, vector<16xf32>,
      %eq3A_209 = vector.broadcast %reduce_max3A_71 : f32 to vector<16xf32>
      %eq3A_210 = arith.cmpf oeq, %get3A_208, %eq3A_209 : vector<16xf32>
      %add3A_211 = arith.constant 64 : i32
      %add3A_212 = vector.broadcast %add3A_211 : i32 to vector<16xi32>
      %add3A_213 = arith.addi %add3A_212, %iota3A : vector<16xi32>
      %select_n3A_214 = arith.select %eq3A_210, %add3A_213, %broadcast_in_dim3A_73 : vector<16xi1>, vector<16xi32>
      %min3A_215 = arith.minsi %min3A_202, %select_n3A_214 : vector<16xi32>
      %mul3A_216 = arith.constant 256 : i32
      %mul3A_217 = arith.muli %shift_right_logical3A_150, %mul3A_216 : i32
      %add3A_218 = arith.constant 80 : i32
      %add3A_219 = arith.addi %mul3A_217, %add3A_218 : i32
      %get3A_220 = arith.index_cast %add3A_219 : i32 to index
      %get3A_221 = tpu.vector_load %arg6[%get3A_220] {strides = array<i32>} : memref<2048xf32, #tpu.memory_space<vmem>>, vector<16xf32>,
      %eq3A_222 = vector.broadcast %reduce_max3A_71 : f32 to vector<16xf32>
      %eq3A_223 = arith.cmpf oeq, %get3A_221, %eq3A_222 : vector<16xf32>
      %add3A_224 = arith.constant 80 : i32
      %add3A_225 = vector.broadcast %add3A_224 : i32 to vector<16xi32>
      %add3A_226 = arith.addi %add3A_225, %iota3A : vector<16xi32>
      %select_n3A_227 = arith.select %eq3A_223, %add3A_226, %broadcast_in_dim3A_73 : vector<16xi1>, vector<16xi32>
      %min3A_228 = arith.minsi %min3A_215, %select_n3A_227 : vector<16xi32>
      %mul3A_229 = arith.constant 256 : i32
      %mul3A_230 = arith.muli %shift_right_logical3A_150, %mul3A_229 : i32
      %add3A_231 = arith.constant 96 : i32
      %add3A_232 = arith.addi %mul3A_230, %add3A_231 : i32
      %get3A_233 = arith.index_cast %add3A_232 : i32 to index
      %get3A_234 = tpu.vector_load %arg6[%get3A_233] {strides = array<i32>} : memref<2048xf32, #tpu.memory_space<vmem>>, vector<16xf32>,
      %eq3A_235 = vector.broadcast %reduce_max3A_71 : f32 to vector<16xf32>
      %eq3A_236 = arith.cmpf oeq, %get3A_234, %eq3A_235 : vector<16xf32>
      %add3A_237 = arith.constant 96 : i32
      %add3A_238 = vector.broadcast %add3A_237 : i32 to vector<16xi32>
      %add3A_239 = arith.addi %add3A_238, %iota3A : vector<16xi32>
      %select_n3A_240 = arith.select %eq3A_236, %add3A_239, %broadcast_in_dim3A_73 : vector<16xi1>, vector<16xi32>
      %min3A_241 = arith.minsi %min3A_228, %select_n3A_240 : vector<16xi32>
      %mul3A_242 = arith.constant 256 : i32
      %mul3A_243 = arith.muli %shift_right_logical3A_150, %mul3A_242 : i32
      %add3A_244 = arith.constant 112 : i32
      %add3A_245 = arith.addi %mul3A_243, %add3A_244 : i32
      %get3A_246 = arith.index_cast %add3A_245 : i32 to index
      %get3A_247 = tpu.vector_load %arg6[%get3A_246] {strides = array<i32>} : memref<2048xf32, #tpu.memory_space<vmem>>, vector<16xf32>,
      %eq3A_248 = vector.broadcast %reduce_max3A_71 : f32 to vector<16xf32>
      %eq3A_249 = arith.cmpf oeq, %get3A_247, %eq3A_248 : vector<16xf32>
      %add3A_250 = arith.constant 112 : i32
      %add3A_251 = vector.broadcast %add3A_250 : i32 to vector<16xi32>
      %add3A_252 = arith.addi %add3A_251, %iota3A : vector<16xi32>
      %select_n3A_253 = arith.select %eq3A_249, %add3A_252, %broadcast_in_dim3A_73 : vector<16xi1>, vector<16xi32>
      %min3A_254 = arith.minsi %min3A_241, %select_n3A_253 : vector<16xi32>
      %mul3A_255 = arith.constant 256 : i32
      %mul3A_256 = arith.muli %shift_right_logical3A_150, %mul3A_255 : i32
      %add3A_257 = arith.constant 128 : i32
      %add3A_258 = arith.addi %mul3A_256, %add3A_257 : i32
      %get3A_259 = arith.index_cast %add3A_258 : i32 to index
      %get3A_260 = tpu.vector_load %arg6[%get3A_259] {strides = array<i32>} : memref<2048xf32, #tpu.memory_space<vmem>>, vector<16xf32>,
      %eq3A_261 = vector.broadcast %reduce_max3A_71 : f32 to vector<16xf32>
      %eq3A_262 = arith.cmpf oeq, %get3A_260, %eq3A_261 : vector<16xf32>
      %add3A_263 = arith.constant 128 : i32
      %add3A_264 = vector.broadcast %add3A_263 : i32 to vector<16xi32>
      %add3A_265 = arith.addi %add3A_264, %iota3A : vector<16xi32>
      %select_n3A_266 = arith.select %eq3A_262, %add3A_265, %broadcast_in_dim3A_73 : vector<16xi1>, vector<16xi32>
      %min3A_267 = arith.minsi %min3A_254, %select_n3A_266 : vector<16xi32>
      %mul3A_268 = arith.constant 256 : i32
      %mul3A_269 = arith.muli %shift_right_logical3A_150, %mul3A_268 : i32
      %add3A_270 = arith.constant 144 : i32
      %add3A_271 = arith.addi %mul3A_269, %add3A_270 : i32
      %get3A_272 = arith.index_cast %add3A_271 : i32 to index
      %get3A_273 = tpu.vector_load %arg6[%get3A_272] {strides = array<i32>} : memref<2048xf32, #tpu.memory_space<vmem>>, vector<16xf32>,
      %eq3A_274 = vector.broadcast %reduce_max3A_71 : f32 to vector<16xf32>
      %eq3A_275 = arith.cmpf oeq, %get3A_273, %eq3A_274 : vector<16xf32>
      %add3A_276 = arith.constant 144 : i32
      %add3A_277 = vector.broadcast %add3A_276 : i32 to vector<16xi32>
      %add3A_278 = arith.addi %add3A_277, %iota3A : vector<16xi32>
      %select_n3A_279 = arith.select %eq3A_275, %add3A_278, %broadcast_in_dim3A_73 : vector<16xi1>, vector<16xi32>
      %min3A_280 = arith.minsi %min3A_267, %select_n3A_279 : vector<16xi32>
      %mul3A_281 = arith.constant 256 : i32
      %mul3A_282 = arith.muli %shift_right_logical3A_150, %mul3A_281 : i32
      %add3A_283 = arith.constant 160 : i32
      %add3A_284 = arith.addi %mul3A_282, %add3A_283 : i32
      %get3A_285 = arith.index_cast %add3A_284 : i32 to index
      %get3A_286 = tpu.vector_load %arg6[%get3A_285] {strides = array<i32>} : memref<2048xf32, #tpu.memory_space<vmem>>, vector<16xf32>,
      %eq3A_287 = vector.broadcast %reduce_max3A_71 : f32 to vector<16xf32>
      %eq3A_288 = arith.cmpf oeq, %get3A_286, %eq3A_287 : vector<16xf32>
      %add3A_289 = arith.constant 160 : i32
      %add3A_290 = vector.broadcast %add3A_289 : i32 to vector<16xi32>
      %add3A_291 = arith.addi %add3A_290, %iota3A : vector<16xi32>
      %select_n3A_292 = arith.select %eq3A_288, %add3A_291, %broadcast_in_dim3A_73 : vector<16xi1>, vector<16xi32>
      %min3A_293 = arith.minsi %min3A_280, %select_n3A_292 : vector<16xi32>
      %mul3A_294 = arith.constant 256 : i32
      %mul3A_295 = arith.muli %shift_right_logical3A_150, %mul3A_294 : i32
      %add3A_296 = arith.constant 176 : i32
      %add3A_297 = arith.addi %mul3A_295, %add3A_296 : i32
      %get3A_298 = arith.index_cast %add3A_297 : i32 to index
      %get3A_299 = tpu.vector_load %arg6[%get3A_298] {strides = array<i32>} : memref<2048xf32, #tpu.memory_space<vmem>>, vector<16xf32>,
      %eq3A_300 = vector.broadcast %reduce_max3A_71 : f32 to vector<16xf32>
      %eq3A_301 = arith.cmpf oeq, %get3A_299, %eq3A_300 : vector<16xf32>
      %add3A_302 = arith.constant 176 : i32
      %add3A_303 = vector.broadcast %add3A_302 : i32 to vector<16xi32>
      %add3A_304 = arith.addi %add3A_303, %iota3A : vector<16xi32>
      %select_n3A_305 = arith.select %eq3A_301, %add3A_304, %broadcast_in_dim3A_73 : vector<16xi1>, vector<16xi32>
      %min3A_306 = arith.minsi %min3A_293, %select_n3A_305 : vector<16xi32>
      %mul3A_307 = arith.constant 256 : i32
      %mul3A_308 = arith.muli %shift_right_logical3A_150, %mul3A_307 : i32
      %add3A_309 = arith.constant 192 : i32
      %add3A_310 = arith.addi %mul3A_308, %add3A_309 : i32
      %get3A_311 = arith.index_cast %add3A_310 : i32 to index
      %get3A_312 = tpu.vector_load %arg6[%get3A_311] {strides = array<i32>} : memref<2048xf32, #tpu.memory_space<vmem>>, vector<16xf32>,
      %eq3A_313 = vector.broadcast %reduce_max3A_71 : f32 to vector<16xf32>
      %eq3A_314 = arith.cmpf oeq, %get3A_312, %eq3A_313 : vector<16xf32>
      %add3A_315 = arith.constant 192 : i32
      %add3A_316 = vector.broadcast %add3A_315 : i32 to vector<16xi32>
      %add3A_317 = arith.addi %add3A_316, %iota3A : vector<16xi32>
      %select_n3A_318 = arith.select %eq3A_314, %add3A_317, %broadcast_in_dim3A_73 : vector<16xi1>, vector<16xi32>
      %min3A_319 = arith.minsi %min3A_306, %select_n3A_318 : vector<16xi32>
      %mul3A_320 = arith.constant 256 : i32
      %mul3A_321 = arith.muli %shift_right_logical3A_150, %mul3A_320 : i32
      %add3A_322 = arith.constant 208 : i32
      %add3A_323 = arith.addi %mul3A_321, %add3A_322 : i32
      %get3A_324 = arith.index_cast %add3A_323 : i32 to index
      %get3A_325 = tpu.vector_load %arg6[%get3A_324] {strides = array<i32>} : memref<2048xf32, #tpu.memory_space<vmem>>, vector<16xf32>,
      %eq3A_326 = vector.broadcast %reduce_max3A_71 : f32 to vector<16xf32>
      %eq3A_327 = arith.cmpf oeq, %get3A_325, %eq3A_326 : vector<16xf32>
      %add3A_328 = arith.constant 208 : i32
      %add3A_329 = vector.broadcast %add3A_328 : i32 to vector<16xi32>
      %add3A_330 = arith.addi %add3A_329, %iota3A : vector<16xi32>
      %select_n3A_331 = arith.select %eq3A_327, %add3A_330, %broadcast_in_dim3A_73 : vector<16xi1>, vector<16xi32>
      %min3A_332 = arith.minsi %min3A_319, %select_n3A_331 : vector<16xi32>
      %mul3A_333 = arith.constant 256 : i32
      %mul3A_334 = arith.muli %shift_right_logical3A_150, %mul3A_333 : i32
      %add3A_335 = arith.constant 224 : i32
      %add3A_336 = arith.addi %mul3A_334, %add3A_335 : i32
      %get3A_337 = arith.index_cast %add3A_336 : i32 to index
      %get3A_338 = tpu.vector_load %arg6[%get3A_337] {strides = array<i32>} : memref<2048xf32, #tpu.memory_space<vmem>>, vector<16xf32>,
      %eq3A_339 = vector.broadcast %reduce_max3A_71 : f32 to vector<16xf32>
      %eq3A_340 = arith.cmpf oeq, %get3A_338, %eq3A_339 : vector<16xf32>
      %add3A_341 = arith.constant 224 : i32
      %add3A_342 = vector.broadcast %add3A_341 : i32 to vector<16xi32>
      %add3A_343 = arith.addi %add3A_342, %iota3A : vector<16xi32>
      %select_n3A_344 = arith.select %eq3A_340, %add3A_343, %broadcast_in_dim3A_73 : vector<16xi1>, vector<16xi32>
      %min3A_345 = arith.minsi %min3A_332, %select_n3A_344 : vector<16xi32>
      %mul3A_346 = arith.constant 256 : i32
      %mul3A_347 = arith.muli %shift_right_logical3A_150, %mul3A_346 : i32
      %add3A_348 = arith.constant 240 : i32
      %add3A_349 = arith.addi %mul3A_347, %add3A_348 : i32
      %get3A_350 = arith.index_cast %add3A_349 : i32 to index
      %get3A_351 = tpu.vector_load %arg6[%get3A_350] {strides = array<i32>} : memref<2048xf32, #tpu.memory_space<vmem>>, vector<16xf32>,
      %eq3A_352 = vector.broadcast %reduce_max3A_71 : f32 to vector<16xf32>
      %eq3A_353 = arith.cmpf oeq, %get3A_351, %eq3A_352 : vector<16xf32>
      %add3A_354 = arith.constant 240 : i32
      %add3A_355 = vector.broadcast %add3A_354 : i32 to vector<16xi32>
      %add3A_356 = arith.addi %add3A_355, %iota3A : vector<16xi32>
      %select_n3A_357 = arith.select %eq3A_353, %add3A_356, %broadcast_in_dim3A_73 : vector<16xi1>, vector<16xi32>
      %min3A_358 = arith.minsi %min3A_345, %select_n3A_357 : vector<16xi32>
      %mul3A_359 = arith.constant 16 : i32
      %mul3A_360 = arith.muli %shift_right_logical3A_150, %mul3A_359 : i32
      %reduce_min3A_361 = arith.constant true
      %reduce_min3A_362 = vector.broadcast %reduce_min3A_361 : i1 to vector<16xi1>
      %reduce_min3A_363 = arith.constant -2147483648 : i32
      %reduce_min3A_364 = vector.broadcast %reduce_min3A_363 : i32 to vector<16xi32>
      %reduce_min3A_365 = arith.xori %min3A_358, %reduce_min3A_364 : vector<16xi32>
      %reduce_min3A_366 = tpu.scan <min>, %reduce_min3A_365 masked %reduce_min3A_362 : vector<16xi32>, vector<16xi1> -> vector<16xi32>
      %reduce_min3A_367 = arith.xori %reduce_min3A_366, %reduce_min3A_364 : vector<16xi32>
      %reduce_min3A_368 = vector.extract %reduce_min3A_367[15] : i32 from vector<16xi32>
      %shift_right_logical3A_369 = arith.constant 4 : i32
      %shift_right_logical3A_370 = arith.shrui %reduce_min3A_368, %shift_right_logical3A_369 : i32
      %add3A_371 = arith.addi %mul3A_360, %shift_right_logical3A_370 : i32
      %mul3A_372 = arith.constant 256 : i32
      %mul3A_373 = arith.muli %add3A_371, %mul3A_372 : i32
      %add3A_374 = arith.constant 0 : i32
      %add3A_375 = arith.addi %mul3A_373, %add3A_374 : i32
      %get3A_376 = arith.index_cast %add3A_375 : i32 to index
      %get3A_377 = tpu.vector_load %arg4[%get3A_376] {strides = array<i32>} : memref<32768xf32, #tpu.memory_space<vmem>>, vector<16xf32>,
      %eq3A_378 = vector.broadcast %reduce_max3A_71 : f32 to vector<16xf32>
      %eq3A_379 = arith.cmpf oeq, %get3A_377, %eq3A_378 : vector<16xf32>
      %add3A_380 = arith.constant 0 : i32
      %add3A_381 = vector.broadcast %add3A_380 : i32 to vector<16xi32>
      %add3A_382 = arith.addi %add3A_381, %iota3A : vector<16xi32>
      %select_n3A_383 = arith.select %eq3A_379, %add3A_382, %broadcast_in_dim3A_73 : vector<16xi1>, vector<16xi32>
      %min3A_384 = arith.minsi %broadcast_in_dim3A_73, %select_n3A_383 : vector<16xi32>
      %mul3A_385 = arith.constant 256 : i32
      %mul3A_386 = arith.muli %add3A_371, %mul3A_385 : i32
      %add3A_387 = arith.constant 16 : i32
      %add3A_388 = arith.addi %mul3A_386, %add3A_387 : i32
      %get3A_389 = arith.index_cast %add3A_388 : i32 to index
      %get3A_390 = tpu.vector_load %arg4[%get3A_389] {strides = array<i32>} : memref<32768xf32, #tpu.memory_space<vmem>>, vector<16xf32>,
      %eq3A_391 = vector.broadcast %reduce_max3A_71 : f32 to vector<16xf32>
      %eq3A_392 = arith.cmpf oeq, %get3A_390, %eq3A_391 : vector<16xf32>
      %add3A_393 = arith.constant 16 : i32
      %add3A_394 = vector.broadcast %add3A_393 : i32 to vector<16xi32>
      %add3A_395 = arith.addi %add3A_394, %iota3A : vector<16xi32>
      %select_n3A_396 = arith.select %eq3A_392, %add3A_395, %broadcast_in_dim3A_73 : vector<16xi1>, vector<16xi32>
      %min3A_397 = arith.minsi %min3A_384, %select_n3A_396 : vector<16xi32>
      %mul3A_398 = arith.constant 256 : i32
      %mul3A_399 = arith.muli %add3A_371, %mul3A_398 : i32
      %add3A_400 = arith.constant 32 : i32
      %add3A_401 = arith.addi %mul3A_399, %add3A_400 : i32
      %get3A_402 = arith.index_cast %add3A_401 : i32 to index
      %get3A_403 = tpu.vector_load %arg4[%get3A_402] {strides = array<i32>} : memref<32768xf32, #tpu.memory_space<vmem>>, vector<16xf32>,
      %eq3A_404 = vector.broadcast %reduce_max3A_71 : f32 to vector<16xf32>
      %eq3A_405 = arith.cmpf oeq, %get3A_403, %eq3A_404 : vector<16xf32>
      %add3A_406 = arith.constant 32 : i32
      %add3A_407 = vector.broadcast %add3A_406 : i32 to vector<16xi32>
      %add3A_408 = arith.addi %add3A_407, %iota3A : vector<16xi32>
      %select_n3A_409 = arith.select %eq3A_405, %add3A_408, %broadcast_in_dim3A_73 : vector<16xi1>, vector<16xi32>
      %min3A_410 = arith.minsi %min3A_397, %select_n3A_409 : vector<16xi32>
      %mul3A_411 = arith.constant 256 : i32
      %mul3A_412 = arith.muli %add3A_371, %mul3A_411 : i32
      %add3A_413 = arith.constant 48 : i32
      %add3A_414 = arith.addi %mul3A_412, %add3A_413 : i32
      %get3A_415 = arith.index_cast %add3A_414 : i32 to index
      %get3A_416 = tpu.vector_load %arg4[%get3A_415] {strides = array<i32>} : memref<32768xf32, #tpu.memory_space<vmem>>, vector<16xf32>,
      %eq3A_417 = vector.broadcast %reduce_max3A_71 : f32 to vector<16xf32>
      %eq3A_418 = arith.cmpf oeq, %get3A_416, %eq3A_417 : vector<16xf32>
      %add3A_419 = arith.constant 48 : i32
      %add3A_420 = vector.broadcast %add3A_419 : i32 to vector<16xi32>
      %add3A_421 = arith.addi %add3A_420, %iota3A : vector<16xi32>
      %select_n3A_422 = arith.select %eq3A_418, %add3A_421, %broadcast_in_dim3A_73 : vector<16xi1>, vector<16xi32>
      %min3A_423 = arith.minsi %min3A_410, %select_n3A_422 : vector<16xi32>
      %mul3A_424 = arith.constant 256 : i32
      %mul3A_425 = arith.muli %add3A_371, %mul3A_424 : i32
      %add3A_426 = arith.constant 64 : i32
      %add3A_427 = arith.addi %mul3A_425, %add3A_426 : i32
      %get3A_428 = arith.index_cast %add3A_427 : i32 to index
      %get3A_429 = tpu.vector_load %arg4[%get3A_428] {strides = array<i32>} : memref<32768xf32, #tpu.memory_space<vmem>>, vector<16xf32>,
      %eq3A_430 = vector.broadcast %reduce_max3A_71 : f32 to vector<16xf32>
      %eq3A_431 = arith.cmpf oeq, %get3A_429, %eq3A_430 : vector<16xf32>
      %add3A_432 = arith.constant 64 : i32
      %add3A_433 = vector.broadcast %add3A_432 : i32 to vector<16xi32>
      %add3A_434 = arith.addi %add3A_433, %iota3A : vector<16xi32>
      %select_n3A_435 = arith.select %eq3A_431, %add3A_434, %broadcast_in_dim3A_73 : vector<16xi1>, vector<16xi32>
      %min3A_436 = arith.minsi %min3A_423, %select_n3A_435 : vector<16xi32>
      %mul3A_437 = arith.constant 256 : i32
      %mul3A_438 = arith.muli %add3A_371, %mul3A_437 : i32
      %add3A_439 = arith.constant 80 : i32
      %add3A_440 = arith.addi %mul3A_438, %add3A_439 : i32
      %get3A_441 = arith.index_cast %add3A_440 : i32 to index
      %get3A_442 = tpu.vector_load %arg4[%get3A_441] {strides = array<i32>} : memref<32768xf32, #tpu.memory_space<vmem>>, vector<16xf32>,
      %eq3A_443 = vector.broadcast %reduce_max3A_71 : f32 to vector<16xf32>
      %eq3A_444 = arith.cmpf oeq, %get3A_442, %eq3A_443 : vector<16xf32>
      %add3A_445 = arith.constant 80 : i32
      %add3A_446 = vector.broadcast %add3A_445 : i32 to vector<16xi32>
      %add3A_447 = arith.addi %add3A_446, %iota3A : vector<16xi32>
      %select_n3A_448 = arith.select %eq3A_444, %add3A_447, %broadcast_in_dim3A_73 : vector<16xi1>, vector<16xi32>
      %min3A_449 = arith.minsi %min3A_436, %select_n3A_448 : vector<16xi32>
      %mul3A_450 = arith.constant 256 : i32
      %mul3A_451 = arith.muli %add3A_371, %mul3A_450 : i32
      %add3A_452 = arith.constant 96 : i32
      %add3A_453 = arith.addi %mul3A_451, %add3A_452 : i32
      %get3A_454 = arith.index_cast %add3A_453 : i32 to index
      %get3A_455 = tpu.vector_load %arg4[%get3A_454] {strides = array<i32>} : memref<32768xf32, #tpu.memory_space<vmem>>, vector<16xf32>,
      %eq3A_456 = vector.broadcast %reduce_max3A_71 : f32 to vector<16xf32>
      %eq3A_457 = arith.cmpf oeq, %get3A_455, %eq3A_456 : vector<16xf32>
      %add3A_458 = arith.constant 96 : i32
      %add3A_459 = vector.broadcast %add3A_458 : i32 to vector<16xi32>
      %add3A_460 = arith.addi %add3A_459, %iota3A : vector<16xi32>
      %select_n3A_461 = arith.select %eq3A_457, %add3A_460, %broadcast_in_dim3A_73 : vector<16xi1>, vector<16xi32>
      %min3A_462 = arith.minsi %min3A_449, %select_n3A_461 : vector<16xi32>
      %mul3A_463 = arith.constant 256 : i32
      %mul3A_464 = arith.muli %add3A_371, %mul3A_463 : i32
      %add3A_465 = arith.constant 112 : i32
      %add3A_466 = arith.addi %mul3A_464, %add3A_465 : i32
      %get3A_467 = arith.index_cast %add3A_466 : i32 to index
      %get3A_468 = tpu.vector_load %arg4[%get3A_467] {strides = array<i32>} : memref<32768xf32, #tpu.memory_space<vmem>>, vector<16xf32>,
      %eq3A_469 = vector.broadcast %reduce_max3A_71 : f32 to vector<16xf32>
      %eq3A_470 = arith.cmpf oeq, %get3A_468, %eq3A_469 : vector<16xf32>
      %add3A_471 = arith.constant 112 : i32
      %add3A_472 = vector.broadcast %add3A_471 : i32 to vector<16xi32>
      %add3A_473 = arith.addi %add3A_472, %iota3A : vector<16xi32>
      %select_n3A_474 = arith.select %eq3A_470, %add3A_473, %broadcast_in_dim3A_73 : vector<16xi1>, vector<16xi32>
      %min3A_475 = arith.minsi %min3A_462, %select_n3A_474 : vector<16xi32>
      %mul3A_476 = arith.constant 256 : i32
      %mul3A_477 = arith.muli %add3A_371, %mul3A_476 : i32
      %add3A_478 = arith.constant 128 : i32
      %add3A_479 = arith.addi %mul3A_477, %add3A_478 : i32
      %get3A_480 = arith.index_cast %add3A_479 : i32 to index
      %get3A_481 = tpu.vector_load %arg4[%get3A_480] {strides = array<i32>} : memref<32768xf32, #tpu.memory_space<vmem>>, vector<16xf32>,
      %eq3A_482 = vector.broadcast %reduce_max3A_71 : f32 to vector<16xf32>
      %eq3A_483 = arith.cmpf oeq, %get3A_481, %eq3A_482 : vector<16xf32>
      %add3A_484 = arith.constant 128 : i32
      %add3A_485 = vector.broadcast %add3A_484 : i32 to vector<16xi32>
      %add3A_486 = arith.addi %add3A_485, %iota3A : vector<16xi32>
      %select_n3A_487 = arith.select %eq3A_483, %add3A_486, %broadcast_in_dim3A_73 : vector<16xi1>, vector<16xi32>
      %min3A_488 = arith.minsi %min3A_475, %select_n3A_487 : vector<16xi32>
      %mul3A_489 = arith.constant 256 : i32
      %mul3A_490 = arith.muli %add3A_371, %mul3A_489 : i32
      %add3A_491 = arith.constant 144 : i32
      %add3A_492 = arith.addi %mul3A_490, %add3A_491 : i32
      %get3A_493 = arith.index_cast %add3A_492 : i32 to index
      %get3A_494 = tpu.vector_load %arg4[%get3A_493] {strides = array<i32>} : memref<32768xf32, #tpu.memory_space<vmem>>, vector<16xf32>,
      %eq3A_495 = vector.broadcast %reduce_max3A_71 : f32 to vector<16xf32>
      %eq3A_496 = arith.cmpf oeq, %get3A_494, %eq3A_495 : vector<16xf32>
      %add3A_497 = arith.constant 144 : i32
      %add3A_498 = vector.broadcast %add3A_497 : i32 to vector<16xi32>
      %add3A_499 = arith.addi %add3A_498, %iota3A : vector<16xi32>
      %select_n3A_500 = arith.select %eq3A_496, %add3A_499, %broadcast_in_dim3A_73 : vector<16xi1>, vector<16xi32>
      %min3A_501 = arith.minsi %min3A_488, %select_n3A_500 : vector<16xi32>
      %mul3A_502 = arith.constant 256 : i32
      %mul3A_503 = arith.muli %add3A_371, %mul3A_502 : i32
      %add3A_504 = arith.constant 160 : i32
      %add3A_505 = arith.addi %mul3A_503, %add3A_504 : i32
      %get3A_506 = arith.index_cast %add3A_505 : i32 to index
      %get3A_507 = tpu.vector_load %arg4[%get3A_506] {strides = array<i32>} : memref<32768xf32, #tpu.memory_space<vmem>>, vector<16xf32>,
      %eq3A_508 = vector.broadcast %reduce_max3A_71 : f32 to vector<16xf32>
      %eq3A_509 = arith.cmpf oeq, %get3A_507, %eq3A_508 : vector<16xf32>
      %add3A_510 = arith.constant 160 : i32
      %add3A_511 = vector.broadcast %add3A_510 : i32 to vector<16xi32>
      %add3A_512 = arith.addi %add3A_511, %iota3A : vector<16xi32>
      %select_n3A_513 = arith.select %eq3A_509, %add3A_512, %broadcast_in_dim3A_73 : vector<16xi1>, vector<16xi32>
      %min3A_514 = arith.minsi %min3A_501, %select_n3A_513 : vector<16xi32>
      %mul3A_515 = arith.constant 256 : i32
      %mul3A_516 = arith.muli %add3A_371, %mul3A_515 : i32
      %add3A_517 = arith.constant 176 : i32
      %add3A_518 = arith.addi %mul3A_516, %add3A_517 : i32
      %get3A_519 = arith.index_cast %add3A_518 : i32 to index
      %get3A_520 = tpu.vector_load %arg4[%get3A_519] {strides = array<i32>} : memref<32768xf32, #tpu.memory_space<vmem>>, vector<16xf32>,
      %eq3A_521 = vector.broadcast %reduce_max3A_71 : f32 to vector<16xf32>
      %eq3A_522 = arith.cmpf oeq, %get3A_520, %eq3A_521 : vector<16xf32>
      %add3A_523 = arith.constant 176 : i32
      %add3A_524 = vector.broadcast %add3A_523 : i32 to vector<16xi32>
      %add3A_525 = arith.addi %add3A_524, %iota3A : vector<16xi32>
      %select_n3A_526 = arith.select %eq3A_522, %add3A_525, %broadcast_in_dim3A_73 : vector<16xi1>, vector<16xi32>
      %min3A_527 = arith.minsi %min3A_514, %select_n3A_526 : vector<16xi32>
      %mul3A_528 = arith.constant 256 : i32
      %mul3A_529 = arith.muli %add3A_371, %mul3A_528 : i32
      %add3A_530 = arith.constant 192 : i32
      %add3A_531 = arith.addi %mul3A_529, %add3A_530 : i32
      %get3A_532 = arith.index_cast %add3A_531 : i32 to index
      %get3A_533 = tpu.vector_load %arg4[%get3A_532] {strides = array<i32>} : memref<32768xf32, #tpu.memory_space<vmem>>, vector<16xf32>,
      %eq3A_534 = vector.broadcast %reduce_max3A_71 : f32 to vector<16xf32>
      %eq3A_535 = arith.cmpf oeq, %get3A_533, %eq3A_534 : vector<16xf32>
      %add3A_536 = arith.constant 192 : i32
      %add3A_537 = vector.broadcast %add3A_536 : i32 to vector<16xi32>
      %add3A_538 = arith.addi %add3A_537, %iota3A : vector<16xi32>
      %select_n3A_539 = arith.select %eq3A_535, %add3A_538, %broadcast_in_dim3A_73 : vector<16xi1>, vector<16xi32>
      %min3A_540 = arith.minsi %min3A_527, %select_n3A_539 : vector<16xi32>
      %mul3A_541 = arith.constant 256 : i32
      %mul3A_542 = arith.muli %add3A_371, %mul3A_541 : i32
      %add3A_543 = arith.constant 208 : i32
      %add3A_544 = arith.addi %mul3A_542, %add3A_543 : i32
      %get3A_545 = arith.index_cast %add3A_544 : i32 to index
      %get3A_546 = tpu.vector_load %arg4[%get3A_545] {strides = array<i32>} : memref<32768xf32, #tpu.memory_space<vmem>>, vector<16xf32>,
      %eq3A_547 = vector.broadcast %reduce_max3A_71 : f32 to vector<16xf32>
      %eq3A_548 = arith.cmpf oeq, %get3A_546, %eq3A_547 : vector<16xf32>
      %add3A_549 = arith.constant 208 : i32
      %add3A_550 = vector.broadcast %add3A_549 : i32 to vector<16xi32>
      %add3A_551 = arith.addi %add3A_550, %iota3A : vector<16xi32>
      %select_n3A_552 = arith.select %eq3A_548, %add3A_551, %broadcast_in_dim3A_73 : vector<16xi1>, vector<16xi32>
      %min3A_553 = arith.minsi %min3A_540, %select_n3A_552 : vector<16xi32>
      %mul3A_554 = arith.constant 256 : i32
      %mul3A_555 = arith.muli %add3A_371, %mul3A_554 : i32
      %add3A_556 = arith.constant 224 : i32
      %add3A_557 = arith.addi %mul3A_555, %add3A_556 : i32
      %get3A_558 = arith.index_cast %add3A_557 : i32 to index
      %get3A_559 = tpu.vector_load %arg4[%get3A_558] {strides = array<i32>} : memref<32768xf32, #tpu.memory_space<vmem>>, vector<16xf32>,
      %eq3A_560 = vector.broadcast %reduce_max3A_71 : f32 to vector<16xf32>
      %eq3A_561 = arith.cmpf oeq, %get3A_559, %eq3A_560 : vector<16xf32>
      %add3A_562 = arith.constant 224 : i32
      %add3A_563 = vector.broadcast %add3A_562 : i32 to vector<16xi32>
      %add3A_564 = arith.addi %add3A_563, %iota3A : vector<16xi32>
      %select_n3A_565 = arith.select %eq3A_561, %add3A_564, %broadcast_in_dim3A_73 : vector<16xi1>, vector<16xi32>
      %min3A_566 = arith.minsi %min3A_553, %select_n3A_565 : vector<16xi32>
      %mul3A_567 = arith.constant 256 : i32
      %mul3A_568 = arith.muli %add3A_371, %mul3A_567 : i32
      %add3A_569 = arith.constant 240 : i32
      %add3A_570 = arith.addi %mul3A_568, %add3A_569 : i32
      %get3A_571 = arith.index_cast %add3A_570 : i32 to index
      %get3A_572 = tpu.vector_load %arg4[%get3A_571] {strides = array<i32>} : memref<32768xf32, #tpu.memory_space<vmem>>, vector<16xf32>,
      %eq3A_573 = vector.broadcast %reduce_max3A_71 : f32 to vector<16xf32>
      %eq3A_574 = arith.cmpf oeq, %get3A_572, %eq3A_573 : vector<16xf32>
      %add3A_575 = arith.constant 240 : i32
      %add3A_576 = vector.broadcast %add3A_575 : i32 to vector<16xi32>
      %add3A_577 = arith.addi %add3A_576, %iota3A : vector<16xi32>
      %select_n3A_578 = arith.select %eq3A_574, %add3A_577, %broadcast_in_dim3A_73 : vector<16xi1>, vector<16xi32>
      %min3A_579 = arith.minsi %min3A_566, %select_n3A_578 : vector<16xi32>
      %reduce_min3A_580 = arith.constant true
      %reduce_min3A_581 = vector.broadcast %reduce_min3A_580 : i1 to vector<16xi1>
      %reduce_min3A_582 = arith.constant -2147483648 : i32
      %reduce_min3A_583 = vector.broadcast %reduce_min3A_582 : i32 to vector<16xi32>
      %reduce_min3A_584 = arith.xori %min3A_579, %reduce_min3A_583 : vector<16xi32>
      %reduce_min3A_585 = tpu.scan <min>, %reduce_min3A_584 masked %reduce_min3A_581 : vector<16xi32>, vector<16xi1> -> vector<16xi32>
      %reduce_min3A_586 = arith.xori %reduce_min3A_585, %reduce_min3A_583 : vector<16xi32>
      %reduce_min3A_587 = vector.extract %reduce_min3A_586[15] : i32 from vector<16xi32>
      %mul3A_588 = arith.constant 256 : i32
      %mul3A_589 = arith.muli %add3A_371, %mul3A_588 : i32
      %add3A_590 = arith.addi %mul3A_589, %reduce_min3A_587 : i32
      %mul3A_591 = arith.constant 256 : i32
      %mul3A_592 = arith.muli %add3A_371, %mul3A_591 : i32
      %and3A = arith.constant -16 : i32
      %and3A_593 = arith.andi %reduce_min3A_587, %and3A : i32
      %add3A_594 = arith.addi %mul3A_592, %and3A_593 : i32
      %get3A_595 = arith.index_cast %add3A_594 : i32 to index
      %get3A_596 = tpu.vector_load %arg4[%get3A_595] {strides = array<i32>} : memref<32768xf32, #tpu.memory_space<vmem>>, vector<16xf32>,
      %and3A_597 = arith.constant 15 : i32
      %and3A_598 = arith.andi %reduce_min3A_587, %and3A_597 : i32
      %eq3A_599 = vector.broadcast %and3A_598 : i32 to vector<16xi32>
      %eq3A_600 = arith.cmpi eq, %iota3A, %eq3A_599 : vector<16xi32>
      %jit3A = arith.constant -1.000000e+00 : f32
      %broadcast_in_dim3A_601 = vector.broadcast %jit3A : f32 to vector<16xf32>
      %select_n3A_602 = arith.select %eq3A_600, %broadcast_in_dim3A_601, %get3A_596 : vector<16xi1>, vector<16xf32>
      %swap3A = arith.index_cast %add3A_594 : i32 to index
      %swap3A_603 = tpu.vector_load %arg4[%swap3A] {strides = array<i32>} : memref<32768xf32, #tpu.memory_space<vmem>>, vector<16xf32>,
      tpu.vector_store %arg4[%swap3A], %select_n3A_602 {strides = array<i32>} : memref<32768xf32, #tpu.memory_space<vmem>>, vector<16xf32>,
      %mul3A_604 = arith.constant 256 : i32
      %mul3A_605 = arith.muli %add3A_371, %mul3A_604 : i32
      %get3A_606 = arith.index_cast %mul3A_605 : i32 to index
      %get3A_607 = tpu.vector_load %arg4[%get3A_606] {strides = array<i32>} : memref<32768xf32, #tpu.memory_space<vmem>>, vector<16xf32>,
      %mul3A_608 = arith.constant 256 : i32
      %mul3A_609 = arith.muli %add3A_371, %mul3A_608 : i32
      %add3A_610 = arith.constant 16 : i32
      %add3A_611 = arith.addi %mul3A_609, %add3A_610 : i32
      %get3A_612 = arith.index_cast %add3A_611 : i32 to index
      %get3A_613 = tpu.vector_load %arg4[%get3A_612] {strides = array<i32>} : memref<32768xf32, #tpu.memory_space<vmem>>, vector<16xf32>,
      %max3A_614 = arith.maximumf %get3A_607, %get3A_613 : vector<16xf32>
      %mul3A_615 = arith.constant 256 : i32
      %mul3A_616 = arith.muli %add3A_371, %mul3A_615 : i32
      %add3A_617 = arith.constant 32 : i32
      %add3A_618 = arith.addi %mul3A_616, %add3A_617 : i32
      %get3A_619 = arith.index_cast %add3A_618 : i32 to index
      %get3A_620 = tpu.vector_load %arg4[%get3A_619] {strides = array<i32>} : memref<32768xf32, #tpu.memory_space<vmem>>, vector<16xf32>,
      %max3A_621 = arith.maximumf %max3A_614, %get3A_620 : vector<16xf32>
      %mul3A_622 = arith.constant 256 : i32
      %mul3A_623 = arith.muli %add3A_371, %mul3A_622 : i32
      %add3A_624 = arith.constant 48 : i32
      %add3A_625 = arith.addi %mul3A_623, %add3A_624 : i32
      %get3A_626 = arith.index_cast %add3A_625 : i32 to index
      %get3A_627 = tpu.vector_load %arg4[%get3A_626] {strides = array<i32>} : memref<32768xf32, #tpu.memory_space<vmem>>, vector<16xf32>,
      %max3A_628 = arith.maximumf %max3A_621, %get3A_627 : vector<16xf32>
      %mul3A_629 = arith.constant 256 : i32
      %mul3A_630 = arith.muli %add3A_371, %mul3A_629 : i32
      %add3A_631 = arith.constant 64 : i32
      %add3A_632 = arith.addi %mul3A_630, %add3A_631 : i32
      %get3A_633 = arith.index_cast %add3A_632 : i32 to index
      %get3A_634 = tpu.vector_load %arg4[%get3A_633] {strides = array<i32>} : memref<32768xf32, #tpu.memory_space<vmem>>, vector<16xf32>,
      %max3A_635 = arith.maximumf %max3A_628, %get3A_634 : vector<16xf32>
      %mul3A_636 = arith.constant 256 : i32
      %mul3A_637 = arith.muli %add3A_371, %mul3A_636 : i32
      %add3A_638 = arith.constant 80 : i32
      %add3A_639 = arith.addi %mul3A_637, %add3A_638 : i32
      %get3A_640 = arith.index_cast %add3A_639 : i32 to index
      %get3A_641 = tpu.vector_load %arg4[%get3A_640] {strides = array<i32>} : memref<32768xf32, #tpu.memory_space<vmem>>, vector<16xf32>,
      %max3A_642 = arith.maximumf %max3A_635, %get3A_641 : vector<16xf32>
      %mul3A_643 = arith.constant 256 : i32
      %mul3A_644 = arith.muli %add3A_371, %mul3A_643 : i32
      %add3A_645 = arith.constant 96 : i32
      %add3A_646 = arith.addi %mul3A_644, %add3A_645 : i32
      %get3A_647 = arith.index_cast %add3A_646 : i32 to index
      %get3A_648 = tpu.vector_load %arg4[%get3A_647] {strides = array<i32>} : memref<32768xf32, #tpu.memory_space<vmem>>, vector<16xf32>,
      %max3A_649 = arith.maximumf %max3A_642, %get3A_648 : vector<16xf32>
      %mul3A_650 = arith.constant 256 : i32
      %mul3A_651 = arith.muli %add3A_371, %mul3A_650 : i32
      %add3A_652 = arith.constant 112 : i32
      %add3A_653 = arith.addi %mul3A_651, %add3A_652 : i32
      %get3A_654 = arith.index_cast %add3A_653 : i32 to index
      %get3A_655 = tpu.vector_load %arg4[%get3A_654] {strides = array<i32>} : memref<32768xf32, #tpu.memory_space<vmem>>, vector<16xf32>,
      %max3A_656 = arith.maximumf %max3A_649, %get3A_655 : vector<16xf32>
      %mul3A_657 = arith.constant 256 : i32
      %mul3A_658 = arith.muli %add3A_371, %mul3A_657 : i32
      %add3A_659 = arith.constant 128 : i32
      %add3A_660 = arith.addi %mul3A_658, %add3A_659 : i32
      %get3A_661 = arith.index_cast %add3A_660 : i32 to index
      %get3A_662 = tpu.vector_load %arg4[%get3A_661] {strides = array<i32>} : memref<32768xf32, #tpu.memory_space<vmem>>, vector<16xf32>,
      %max3A_663 = arith.maximumf %max3A_656, %get3A_662 : vector<16xf32>
      %mul3A_664 = arith.constant 256 : i32
      %mul3A_665 = arith.muli %add3A_371, %mul3A_664 : i32
      %add3A_666 = arith.constant 144 : i32
      %add3A_667 = arith.addi %mul3A_665, %add3A_666 : i32
      %get3A_668 = arith.index_cast %add3A_667 : i32 to index
      %get3A_669 = tpu.vector_load %arg4[%get3A_668] {strides = array<i32>} : memref<32768xf32, #tpu.memory_space<vmem>>, vector<16xf32>,
      %max3A_670 = arith.maximumf %max3A_663, %get3A_669 : vector<16xf32>
      %mul3A_671 = arith.constant 256 : i32
      %mul3A_672 = arith.muli %add3A_371, %mul3A_671 : i32
      %add3A_673 = arith.constant 160 : i32
      %add3A_674 = arith.addi %mul3A_672, %add3A_673 : i32
      %get3A_675 = arith.index_cast %add3A_674 : i32 to index
      %get3A_676 = tpu.vector_load %arg4[%get3A_675] {strides = array<i32>} : memref<32768xf32, #tpu.memory_space<vmem>>, vector<16xf32>,
      %max3A_677 = arith.maximumf %max3A_670, %get3A_676 : vector<16xf32>
      %mul3A_678 = arith.constant 256 : i32
      %mul3A_679 = arith.muli %add3A_371, %mul3A_678 : i32
      %add3A_680 = arith.constant 176 : i32
      %add3A_681 = arith.addi %mul3A_679, %add3A_680 : i32
      %get3A_682 = arith.index_cast %add3A_681 : i32 to index
      %get3A_683 = tpu.vector_load %arg4[%get3A_682] {strides = array<i32>} : memref<32768xf32, #tpu.memory_space<vmem>>, vector<16xf32>,
      %max3A_684 = arith.maximumf %max3A_677, %get3A_683 : vector<16xf32>
      %mul3A_685 = arith.constant 256 : i32
      %mul3A_686 = arith.muli %add3A_371, %mul3A_685 : i32
      %add3A_687 = arith.constant 192 : i32
      %add3A_688 = arith.addi %mul3A_686, %add3A_687 : i32
      %get3A_689 = arith.index_cast %add3A_688 : i32 to index
      %get3A_690 = tpu.vector_load %arg4[%get3A_689] {strides = array<i32>} : memref<32768xf32, #tpu.memory_space<vmem>>, vector<16xf32>,
      %max3A_691 = arith.maximumf %max3A_684, %get3A_690 : vector<16xf32>
      %mul3A_692 = arith.constant 256 : i32
      %mul3A_693 = arith.muli %add3A_371, %mul3A_692 : i32
      %add3A_694 = arith.constant 208 : i32
      %add3A_695 = arith.addi %mul3A_693, %add3A_694 : i32
      %get3A_696 = arith.index_cast %add3A_695 : i32 to index
      %get3A_697 = tpu.vector_load %arg4[%get3A_696] {strides = array<i32>} : memref<32768xf32, #tpu.memory_space<vmem>>, vector<16xf32>,
      %max3A_698 = arith.maximumf %max3A_691, %get3A_697 : vector<16xf32>
      %mul3A_699 = arith.constant 256 : i32
      %mul3A_700 = arith.muli %add3A_371, %mul3A_699 : i32
      %add3A_701 = arith.constant 224 : i32
      %add3A_702 = arith.addi %mul3A_700, %add3A_701 : i32
      %get3A_703 = arith.index_cast %add3A_702 : i32 to index
      %get3A_704 = tpu.vector_load %arg4[%get3A_703] {strides = array<i32>} : memref<32768xf32, #tpu.memory_space<vmem>>, vector<16xf32>,
      %max3A_705 = arith.maximumf %max3A_698, %get3A_704 : vector<16xf32>
      %mul3A_706 = arith.constant 256 : i32
      %mul3A_707 = arith.muli %add3A_371, %mul3A_706 : i32
      %add3A_708 = arith.constant 240 : i32
      %add3A_709 = arith.addi %mul3A_707, %add3A_708 : i32
      %get3A_710 = arith.index_cast %add3A_709 : i32 to index
      %get3A_711 = tpu.vector_load %arg4[%get3A_710] {strides = array<i32>} : memref<32768xf32, #tpu.memory_space<vmem>>, vector<16xf32>,
      %max3A_712 = arith.maximumf %max3A_705, %get3A_711 : vector<16xf32>
      %mul3A_713 = arith.constant 16 : i32
      %mul3A_714 = arith.muli %add3A_371, %mul3A_713 : i32
      %swap3A_715 = arith.index_cast %mul3A_714 : i32 to index
      %swap3A_716 = tpu.vector_load %arg6[%swap3A_715] {strides = array<i32>} : memref<2048xf32, #tpu.memory_space<vmem>>, vector<16xf32>,
      tpu.vector_store %arg6[%swap3A_715], %max3A_712 {strides = array<i32>} : memref<2048xf32, #tpu.memory_space<vmem>>, vector<16xf32>,
      %mul3A_717 = arith.constant 256 : i32
      %mul3A_718 = arith.muli %shift_right_logical3A_150, %mul3A_717 : i32
      %get3A_719 = arith.index_cast %mul3A_718 : i32 to index
      %get3A_720 = tpu.vector_load %arg6[%get3A_719] {strides = array<i32>} : memref<2048xf32, #tpu.memory_space<vmem>>, vector<16xf32>,
      %mul3A_721 = arith.constant 256 : i32
      %mul3A_722 = arith.muli %shift_right_logical3A_150, %mul3A_721 : i32
      %add3A_723 = arith.constant 16 : i32
      %add3A_724 = arith.addi %mul3A_722, %add3A_723 : i32
      %get3A_725 = arith.index_cast %add3A_724 : i32 to index
      %get3A_726 = tpu.vector_load %arg6[%get3A_725] {strides = array<i32>} : memref<2048xf32, #tpu.memory_space<vmem>>, vector<16xf32>,
      %max3A_727 = arith.maximumf %get3A_720, %get3A_726 : vector<16xf32>
      %mul3A_728 = arith.constant 256 : i32
      %mul3A_729 = arith.muli %shift_right_logical3A_150, %mul3A_728 : i32
      %add3A_730 = arith.constant 32 : i32
      %add3A_731 = arith.addi %mul3A_729, %add3A_730 : i32
      %get3A_732 = arith.index_cast %add3A_731 : i32 to index
      %get3A_733 = tpu.vector_load %arg6[%get3A_732] {strides = array<i32>} : memref<2048xf32, #tpu.memory_space<vmem>>, vector<16xf32>,
      %max3A_734 = arith.maximumf %max3A_727, %get3A_733 : vector<16xf32>
      %mul3A_735 = arith.constant 256 : i32
      %mul3A_736 = arith.muli %shift_right_logical3A_150, %mul3A_735 : i32
      %add3A_737 = arith.constant 48 : i32
      %add3A_738 = arith.addi %mul3A_736, %add3A_737 : i32
      %get3A_739 = arith.index_cast %add3A_738 : i32 to index
      %get3A_740 = tpu.vector_load %arg6[%get3A_739] {strides = array<i32>} : memref<2048xf32, #tpu.memory_space<vmem>>, vector<16xf32>,
      %max3A_741 = arith.maximumf %max3A_734, %get3A_740 : vector<16xf32>
      %mul3A_742 = arith.constant 256 : i32
      %mul3A_743 = arith.muli %shift_right_logical3A_150, %mul3A_742 : i32
      %add3A_744 = arith.constant 64 : i32
      %add3A_745 = arith.addi %mul3A_743, %add3A_744 : i32
      %get3A_746 = arith.index_cast %add3A_745 : i32 to index
      %get3A_747 = tpu.vector_load %arg6[%get3A_746] {strides = array<i32>} : memref<2048xf32, #tpu.memory_space<vmem>>, vector<16xf32>,
      %max3A_748 = arith.maximumf %max3A_741, %get3A_747 : vector<16xf32>
      %mul3A_749 = arith.constant 256 : i32
      %mul3A_750 = arith.muli %shift_right_logical3A_150, %mul3A_749 : i32
      %add3A_751 = arith.constant 80 : i32
      %add3A_752 = arith.addi %mul3A_750, %add3A_751 : i32
      %get3A_753 = arith.index_cast %add3A_752 : i32 to index
      %get3A_754 = tpu.vector_load %arg6[%get3A_753] {strides = array<i32>} : memref<2048xf32, #tpu.memory_space<vmem>>, vector<16xf32>,
      %max3A_755 = arith.maximumf %max3A_748, %get3A_754 : vector<16xf32>
      %mul3A_756 = arith.constant 256 : i32
      %mul3A_757 = arith.muli %shift_right_logical3A_150, %mul3A_756 : i32
      %add3A_758 = arith.constant 96 : i32
      %add3A_759 = arith.addi %mul3A_757, %add3A_758 : i32
      %get3A_760 = arith.index_cast %add3A_759 : i32 to index
      %get3A_761 = tpu.vector_load %arg6[%get3A_760] {strides = array<i32>} : memref<2048xf32, #tpu.memory_space<vmem>>, vector<16xf32>,
      %max3A_762 = arith.maximumf %max3A_755, %get3A_761 : vector<16xf32>
      %mul3A_763 = arith.constant 256 : i32
      %mul3A_764 = arith.muli %shift_right_logical3A_150, %mul3A_763 : i32
      %add3A_765 = arith.constant 112 : i32
      %add3A_766 = arith.addi %mul3A_764, %add3A_765 : i32
      %get3A_767 = arith.index_cast %add3A_766 : i32 to index
      %get3A_768 = tpu.vector_load %arg6[%get3A_767] {strides = array<i32>} : memref<2048xf32, #tpu.memory_space<vmem>>, vector<16xf32>,
      %max3A_769 = arith.maximumf %max3A_762, %get3A_768 : vector<16xf32>
      %mul3A_770 = arith.constant 256 : i32
      %mul3A_771 = arith.muli %shift_right_logical3A_150, %mul3A_770 : i32
      %add3A_772 = arith.constant 128 : i32
      %add3A_773 = arith.addi %mul3A_771, %add3A_772 : i32
      %get3A_774 = arith.index_cast %add3A_773 : i32 to index
      %get3A_775 = tpu.vector_load %arg6[%get3A_774] {strides = array<i32>} : memref<2048xf32, #tpu.memory_space<vmem>>, vector<16xf32>,
      %max3A_776 = arith.maximumf %max3A_769, %get3A_775 : vector<16xf32>
      %mul3A_777 = arith.constant 256 : i32
      %mul3A_778 = arith.muli %shift_right_logical3A_150, %mul3A_777 : i32
      %add3A_779 = arith.constant 144 : i32
      %add3A_780 = arith.addi %mul3A_778, %add3A_779 : i32
      %get3A_781 = arith.index_cast %add3A_780 : i32 to index
      %get3A_782 = tpu.vector_load %arg6[%get3A_781] {strides = array<i32>} : memref<2048xf32, #tpu.memory_space<vmem>>, vector<16xf32>,
      %max3A_783 = arith.maximumf %max3A_776, %get3A_782 : vector<16xf32>
      %mul3A_784 = arith.constant 256 : i32
      %mul3A_785 = arith.muli %shift_right_logical3A_150, %mul3A_784 : i32
      %add3A_786 = arith.constant 160 : i32
      %add3A_787 = arith.addi %mul3A_785, %add3A_786 : i32
      %get3A_788 = arith.index_cast %add3A_787 : i32 to index
      %get3A_789 = tpu.vector_load %arg6[%get3A_788] {strides = array<i32>} : memref<2048xf32, #tpu.memory_space<vmem>>, vector<16xf32>,
      %max3A_790 = arith.maximumf %max3A_783, %get3A_789 : vector<16xf32>
      %mul3A_791 = arith.constant 256 : i32
      %mul3A_792 = arith.muli %shift_right_logical3A_150, %mul3A_791 : i32
      %add3A_793 = arith.constant 176 : i32
      %add3A_794 = arith.addi %mul3A_792, %add3A_793 : i32
      %get3A_795 = arith.index_cast %add3A_794 : i32 to index
      %get3A_796 = tpu.vector_load %arg6[%get3A_795] {strides = array<i32>} : memref<2048xf32, #tpu.memory_space<vmem>>, vector<16xf32>,
      %max3A_797 = arith.maximumf %max3A_790, %get3A_796 : vector<16xf32>
      %mul3A_798 = arith.constant 256 : i32
      %mul3A_799 = arith.muli %shift_right_logical3A_150, %mul3A_798 : i32
      %add3A_800 = arith.constant 192 : i32
      %add3A_801 = arith.addi %mul3A_799, %add3A_800 : i32
      %get3A_802 = arith.index_cast %add3A_801 : i32 to index
      %get3A_803 = tpu.vector_load %arg6[%get3A_802] {strides = array<i32>} : memref<2048xf32, #tpu.memory_space<vmem>>, vector<16xf32>,
      %max3A_804 = arith.maximumf %max3A_797, %get3A_803 : vector<16xf32>
      %mul3A_805 = arith.constant 256 : i32
      %mul3A_806 = arith.muli %shift_right_logical3A_150, %mul3A_805 : i32
      %add3A_807 = arith.constant 208 : i32
      %add3A_808 = arith.addi %mul3A_806, %add3A_807 : i32
      %get3A_809 = arith.index_cast %add3A_808 : i32 to index
      %get3A_810 = tpu.vector_load %arg6[%get3A_809] {strides = array<i32>} : memref<2048xf32, #tpu.memory_space<vmem>>, vector<16xf32>,
      %max3A_811 = arith.maximumf %max3A_804, %get3A_810 : vector<16xf32>
      %mul3A_812 = arith.constant 256 : i32
      %mul3A_813 = arith.muli %shift_right_logical3A_150, %mul3A_812 : i32
      %add3A_814 = arith.constant 224 : i32
      %add3A_815 = arith.addi %mul3A_813, %add3A_814 : i32
      %get3A_816 = arith.index_cast %add3A_815 : i32 to index
      %get3A_817 = tpu.vector_load %arg6[%get3A_816] {strides = array<i32>} : memref<2048xf32, #tpu.memory_space<vmem>>, vector<16xf32>,
      %max3A_818 = arith.maximumf %max3A_811, %get3A_817 : vector<16xf32>
      %mul3A_819 = arith.constant 256 : i32
      %mul3A_820 = arith.muli %shift_right_logical3A_150, %mul3A_819 : i32
      %add3A_821 = arith.constant 240 : i32
      %add3A_822 = arith.addi %mul3A_820, %add3A_821 : i32
      %get3A_823 = arith.index_cast %add3A_822 : i32 to index
      %get3A_824 = tpu.vector_load %arg6[%get3A_823] {strides = array<i32>} : memref<2048xf32, #tpu.memory_space<vmem>>, vector<16xf32>,
      %max3A_825 = arith.maximumf %max3A_818, %get3A_824 : vector<16xf32>
      %mul3A_826 = arith.constant 16 : i32
      %mul3A_827 = arith.muli %shift_right_logical3A_150, %mul3A_826 : i32
      %swap3A_828 = arith.index_cast %mul3A_827 : i32 to index
      %swap3A_829 = tpu.vector_load %arg7[%swap3A_828] {strides = array<i32>} : memref<128xf32, #tpu.memory_space<vmem>>, vector<16xf32>,
      tpu.vector_store %arg7[%swap3A_828], %max3A_825 {strides = array<i32>} : memref<128xf32, #tpu.memory_space<vmem>>, vector<16xf32>,
      %lt3A_830 = arith.constant 16 : i32
      %lt3A_831 = arith.cmpi slt, %scan3A_45, %lt3A_830 : i32
      %sub3A = arith.constant 16 : i32
      %sub3A_832 = arith.subi %scan3A_45, %sub3A : i32
      %select_n3A_833 = arith.select %lt3A_831, %scan3A_45, %sub3A_832 : i32
      %eq3A_834 = vector.broadcast %select_n3A_833 : i32 to vector<16xi32>
      %eq3A_835 = arith.cmpi eq, %iota3A, %eq3A_834 : vector<16xi32>
      %lt3A_836 = arith.constant 16 : i32
      %lt3A_837 = arith.cmpi slt, %scan3A_45, %lt3A_836 : i32
      %and3A_838 = vector.broadcast %lt3A_837 : i1 to vector<16xi1>
      %and3A_839 = arith.andi %eq3A_835, %and3A_838 : vector<16xi1>
      %broadcast_in_dim3A_840 = vector.broadcast %add3A_590 : i32 to vector<16xi32>
      %select_n3A_841 = arith.select %and3A_839, %broadcast_in_dim3A_840, %scan3A_46 : vector<16xi1>, vector<16xi32>
      %ge3A = arith.constant 16 : i32
      %ge3A_842 = arith.cmpi sge, %scan3A_45, %ge3A : i32
      %and3A_843 = vector.broadcast %ge3A_842 : i1 to vector<16xi1>
      %and3A_844 = arith.andi %eq3A_835, %and3A_843 : vector<16xi1>
      %broadcast_in_dim3A_845 = vector.broadcast %add3A_590 : i32 to vector<16xi32>
      %select_n3A_846 = arith.select %and3A_844, %broadcast_in_dim3A_845, %scan3A_47 : vector<16xi1>, vector<16xi32>
      scf.yield %select_n3A_841, %select_n3A_846 : vector<16xi32>, vector<16xi32>
    }
    %scan3A_39 = arith.constant 31 : i32
    tpu.vector_store_idx %arg5[%scan3A_38#0], %iota3A : memref<32768xi32, #tpu.memory_space<vmem>>[vector<16xi32>], vector<16xi32>,
    %add3A_40 = arith.constant 16 : i32
    %add3A_41 = vector.broadcast %add3A_40 : i32 to vector<16xi32>
    %add3A_42 = arith.addi %iota3A, %add3A_41 : vector<16xi32>
    %lt3A = arith.constant 15 : i32
    %lt3A_43 = vector.broadcast %lt3A : i32 to vector<16xi32>
    %lt3A_44 = arith.cmpi slt, %iota3A, %lt3A_43 : vector<16xi32>
    tpu.vector_store_idx %arg5[%scan3A_38#1], %add3A_42 masked %lt3A_44 : memref<32768xi32, #tpu.memory_space<vmem>>[vector<16xi32>], vector<16xi32>, vector<16xi1>
    "tpu.region"() ({
      %run_scoped3A = tpu.sem_alloc : memref<!tpu.dma_semaphore, #tpu.memory_space<semaphore_mem>>
      %dma_start3A_45 = arith.constant 0 : i32
      %dma_start3A_46 = tpu.memref_slice %arg3[%add3A, %dma_start3A_45] : memref<32x32768xi32, #tpu.memory_space<hbm>> -> memref<1x32768xi32, #tpu.memory_space<hbm>>
      %dma_start3A_47 = tpu.memref_squeeze %dma_start3A_46 : memref<1x32768xi32, #tpu.memory_space<hbm>> -> memref<32768xi32, #tpu.memory_space<hbm>>
      %dma_start3A_48 = arith.constant 0 : i32
      %dma_start3A_49 = tpu.memref_slice %arg3[%add3A, %dma_start3A_48] : memref<32x32768xi32, #tpu.memory_space<hbm>> -> memref<1x32768xi32, #tpu.memory_space<hbm>>
      %dma_start3A_50 = tpu.memref_squeeze %dma_start3A_49 : memref<1x32768xi32, #tpu.memory_space<hbm>> -> memref<32768xi32, #tpu.memory_space<hbm>>
      tpu.enqueue_dma source(%arg5 : memref<32768xi32, #tpu.memory_space<vmem>>) target(%dma_start3A_50 : memref<32768xi32, #tpu.memory_space<hbm>>) target_semaphore(%run_scoped3A : memref<!tpu.dma_semaphore, #tpu.memory_space<semaphore_mem>>)
      %dma_wait3A_51 = arith.constant 0 : i32
      %dma_wait3A_52 = tpu.memref_slice %arg3[%add3A, %dma_wait3A_51] : memref<32x32768xi32, #tpu.memory_space<hbm>> -> memref<1x32768xi32, #tpu.memory_space<hbm>>
      %dma_wait3A_53 = tpu.memref_squeeze %dma_wait3A_52 : memref<1x32768xi32, #tpu.memory_space<hbm>> -> memref<32768xi32, #tpu.memory_space<hbm>>
      %dma_wait3A_54 = arith.constant 0 : i32
      %dma_wait3A_55 = tpu.memref_slice %arg3[%add3A, %dma_wait3A_54] : memref<32x32768xi32, #tpu.memory_space<hbm>> -> memref<1x32768xi32, #tpu.memory_space<hbm>>
      %dma_wait3A_56 = tpu.memref_squeeze %dma_wait3A_55 : memref<1x32768xi32, #tpu.memory_space<hbm>> -> memref<32768xi32, #tpu.memory_space<hbm>>
      tpu.wait_dma2 semaphore(%run_scoped3A : memref<!tpu.dma_semaphore, #tpu.memory_space<semaphore_mem>>) src(%arg5 : memref<32768xi32, #tpu.memory_space<vmem>>) dst(%dma_wait3A_56 : memref<32768xi32, #tpu.memory_space<hbm>>)
      tpu.yield
    }) : () -> ()
    return
  }
}

module attributes {stable_mosaic.version = 14 : i64} {
  func.func @_expand_kernel(%arg0: i32, %arg1: memref<2x1x32768xi32, #tpu.memory_space<vmem>>, %arg2: memref<2x32x32768xf32, #tpu.memory_space<vmem>>) attributes {dimension_semantics = [#tpu.dimension_semantics<arbitrary>], iteration_bounds = array<i64: 16>, scalar_prefetch = 0 : i64, scratch_operands = 0 : i64, tpu.core_type = #tpu.core_type<tc>, window_params = [{transform_indices = @transform_0, window_bounds = array<i64: 2, 1, 32768>}, {transform_indices = @transform_1, window_bounds = array<i64: 2, 32, 32768>}]} {
    %iota3A = tpu.iota {dimensions = array<i32: 0>} : vector<32x32768xi32>
    %get3A = arith.constant 0 : index
    %get3A_0 = arith.constant 0 : index
    %get3A_1 = arith.constant 0 : index
    %get3A_2 = vector.load %arg1[%get3A, %get3A_0, %get3A_1] : memref<2x1x32768xi32, #tpu.memory_space<vmem>>, vector<1x1x32768xi32>
    %get3A_3 = vector.shape_cast %get3A_2 : vector<1x1x32768xi32> to vector<1x32768xi32>
    %eq3A = vector.broadcast %get3A_3 : vector<1x32768xi32> to vector<32x32768xi32>
    %eq3A_4 = arith.cmpi eq, %eq3A, %iota3A : vector<32x32768xi32>
    %convert_element_type3A = arith.extui %eq3A_4 : vector<32x32768xi1> to vector<32x32768xi32>
    %convert_element_type3A_5 = arith.sitofp %convert_element_type3A : vector<32x32768xi32> to vector<32x32768xf32>
    %swap3A = arith.constant 0 : index
    %swap3A_6 = arith.constant 0 : index
    %swap3A_7 = arith.constant 0 : index
    %swap3A_8 = vector.load %arg2[%swap3A, %swap3A_6, %swap3A_7] : memref<2x32x32768xf32, #tpu.memory_space<vmem>>, vector<1x32x32768xf32>
    %swap3A_9 = vector.shape_cast %swap3A_8 : vector<1x32x32768xf32> to vector<32x32768xf32>
    %swap3A_10 = vector.shape_cast %convert_element_type3A_5 : vector<32x32768xf32> to vector<1x32x32768xf32>
    tpu.vector_store %arg2[%swap3A, %swap3A_6, %swap3A_7], %swap3A_10 {strides = array<i32>} : memref<2x32x32768xf32, #tpu.memory_space<vmem>>, vector<1x32x32768xf32>,
    %get3A_11 = arith.constant 1 : index
    %get3A_12 = arith.constant 0 : index
    %get3A_13 = arith.constant 0 : index
    %get3A_14 = vector.load %arg1[%get3A_11, %get3A_12, %get3A_13] : memref<2x1x32768xi32, #tpu.memory_space<vmem>>, vector<1x1x32768xi32>
    %get3A_15 = vector.shape_cast %get3A_14 : vector<1x1x32768xi32> to vector<1x32768xi32>
    %eq3A_16 = vector.broadcast %get3A_15 : vector<1x32768xi32> to vector<32x32768xi32>
    %eq3A_17 = arith.cmpi eq, %eq3A_16, %iota3A : vector<32x32768xi32>
    %convert_element_type3A_18 = arith.extui %eq3A_17 : vector<32x32768xi1> to vector<32x32768xi32>
    %convert_element_type3A_19 = arith.sitofp %convert_element_type3A_18 : vector<32x32768xi32> to vector<32x32768xf32>
    %swap3A_20 = arith.constant 1 : index
    %swap3A_21 = arith.constant 0 : index
    %swap3A_22 = arith.constant 0 : index
    %swap3A_23 = vector.load %arg2[%swap3A_20, %swap3A_21, %swap3A_22] : memref<2x32x32768xf32, #tpu.memory_space<vmem>>, vector<1x32x32768xf32>
    %swap3A_24 = vector.shape_cast %swap3A_23 : vector<1x32x32768xf32> to vector<32x32768xf32>
    %swap3A_25 = vector.shape_cast %convert_element_type3A_19 : vector<32x32768xf32> to vector<1x32x32768xf32>
    tpu.vector_store %arg2[%swap3A_20, %swap3A_21, %swap3A_22], %swap3A_25 {strides = array<i32>} : memref<2x32x32768xf32, #tpu.memory_space<vmem>>, vector<1x32x32768xf32>,
    return
  }
  func.func @transform_0(%arg0: i32) -> (i32, i32, i32) {
    %c0_i32 = arith.constant 0 : i32
    %c0_i32_0 = arith.constant 0 : i32
    %c0_i32_1 = arith.constant 0 : i32
    return %arg0, %c0_i32, %c0_i32_0 : i32, i32, i32
  }
  func.func @transform_1(%arg0: i32) -> (i32, i32, i32) {
    %c0_i32 = arith.constant 0 : i32
    %c0_i32_0 = arith.constant 0 : i32
    %c0_i32_1 = arith.constant 0 : i32
    return %arg0, %c0_i32, %c0_i32_0 : i32, i32, i32
  }
}

</mosaic_0001>

<sc_bundles>
// kernel: kernel.4.cloned.1.call-start
scs
__scs_entry_jumppad:
0x0: {  	(pc) =	sbr.rel $0x88, $3  }
0x1: {  	(tag) =	ssettag $0x0;
	lr =	simm.s32 $0x1  }
0x2: {  	[smem:$0x3FA0] =	sst lr;
	_ =	strace $0xD0000000  }
0x3: {  	_ = 	snop  }
0x4: {  	_ = 	snop  }
0x5: {  	_ = 	snop  }
0x6: {  	_ = 	snop  }
0x7: {  	_ = 	snop  }
__scs_overlays_trampoline_lowered:
0x8: {  	[smem:$0x3FAF] =	sst s0  }
0x9: {  	[smem:$0x3FB0] =	sst s1  }
0xa: {  	[smem:$0x3FB1] =	sst s2  }
0xb: {  	[smem:$0x3FB2] =	sst s3  }
0xc: {  	[smem:$0x3FB3] =	sst s4  }
0xd: {  	[smem:$0x3FB4] =	sst s5  }
0xe: {  	[smem:$0x3FB5] =	sst s6  }
0xf: {  	[smem:$0x3FB6] =	sst s7  }
0x10: {  	[smem:$0x3FB7] =	sst s8  }
0x11: {  	[smem:$0x3FB8] =	sst s9;
	s0 =	simm.s32 @!p0 $0x0  }
0x12: {  	s1 =	sld [smem:$0x3F9E];
	s0 =	simm.s32 @p0 $0x1  }
0x13: {  	[smem:$0x3FB9] =	sst s0;
	s0 =	simm.s32 @!p1 $0x0  }
0x14: {  	s2 =	sld [smem:$0x3F9D];
	s0 =	simm.s32 @p1 $0x1  }
0x15: {  	[smem:$0x3FBA] =	sst s0;
	s0 =	simm.s32 @!p2 $0x0  }
0x16: {  	s3 =	sld [smem:$0x3FDB];
	s0 =	simm.s32 @p2 $0x1  }
0x17: {  	s4 =	simm.s32 $0x1BF5;
	[smem:$0x3FBC] =	sst s0  }
0x18: {  	s0 =	sld [smem:$0x3F9F];
	_ =	swait.ge [sflag:s4], $0x0  }
0x19: {  	s7 =	sld [smem:$0x3FA0]  }
0x1a: {  	s8 =	sadd.s32 $0xFFFFE003, lr  }
0x1b: {  	s9 =	sadd.s32 $0xFFFFFEF7, lr;
	s5 =	simm.s32 $0xFFFFFFFF;
	p2 =	slt.u32 s8, $0xFFFFF086  }
0x1c: {  	p1 =	slt.u32 s9, $0xF7A;
	s5 =	simm.s32 @!p2 $0x0  }
0x1d: {  	s5 =	simm.s32 @p1 $0x1;
	p0 =	seq.s32 s7, s2  }
0x1e: {  	s7 =	smul.u32 @!p0 $0xF7A, s2;
	p2 =	seq.s32 @!p0 s5, $0x0  }
0x1f: {  	s9 =	smul.u32 $0xF7A, s1;
	s8 =	simm.s32 @!p0 $0x1BF5;
	p2 =	por !p2, p0  }
0x20: {  	[sflag:s8] =	ssyncset.s32 @!p0 $0xFFFFF086;
	s6 =	sadd.s32 @!p0 s3, s7;
	s7 =	simm.s32 @!p0 $0x108  }
0x21: {  	s3 =	sadd.s32 s3, s9;
	s6 =	sadd.s32 @!p0 $0x88, s6;
	s7 =	simm.s32 @p2 $0x1082  }
0x22: {  	[simem:s7], [sflag:s8] =	dma.local @!p0 [hbm:s6], $0xF7A  }
0x23: {  	s9 =	sor.u32 $0xD0000000, s2;
	s6 =	simm.s32 $0x108;
	_ =	swait.ge @!p0 [sflag:s8], $0x0  }
0x24: {  	s3 =	sadd.s32 $0x88, s3;
	s6 =	simm.s32 @!p1 $0x1082;
	[sflag:s4] =	ssyncset.s32 $0xFFFFF086  }
0x25: {  	[simem:s6], [sflag:s4] =	dma.local [hbm:s3], $0xF7A  }
0x26: {  	[smem:$0x3FA0] =	sst s1;
	(tag) =	ssettag s2;
	_ =	strace s9  }
0x27: {  	s1 =	sld [smem:$0x3FB0]  }
0x28: {  	s2 =	sld [smem:$0x3FB1]  }
0x29: {  	s4 =	sld [smem:$0x3FB3]  }
0x2a: {  	p0 =	seq.s32 s5, $0x0;
	s5 =	sld [smem:$0x3FB4]  }
0x2b: {  	s6 =	sld [smem:$0x3FB5]  }
0x2c: {  	s7 =	sld [smem:$0x3FB6]  }
0x2d: {  	s3 =	simm.s32 $0x108;
	s8 =	sld [smem:$0x3FB7]  }
0x2e: {  	s3 =	simm.s32 @!p0 $0x1082;
	s9 =	sld [smem:$0x3FB8]  }
0x2f: {  	lr =	sadd.s32 s0, s3;
	s0 =	sld [smem:$0x3FAF]  }
0x30: {  	s3 =	sld [smem:$0x3FB2]  }
0x31: {  	[smem:$0x3FBB] =	sst s10  }
0x32: {  	s10 =	sld [smem:$0x3FB9];
	_ =	sdelay $0x3  }
0x33: {  	p0 =	seq.s32 s10, $0x1;
	s10 =	sld [smem:$0x3FBB];
	_ =	sdelay $0x3  }
0x34: {  	[smem:$0x3FBB] =	sst s10  }
0x35: {  	s10 =	sld [smem:$0x3FBA];
	_ =	sdelay $0x3  }
0x36: {  	p1 =	seq.s32 s10, $0x1;
	s10 =	sld [smem:$0x3FBB];
	_ =	sdelay $0x3  }
0x37: {  	[smem:$0x3FBB] =	sst s10  }
0x38: {  	s10 =	sld [smem:$0x3FBC]  }
0x39: {  	_ = 	snop;
	(pc) =	sbr.ind lr, $3  }
0x3a: {  	_ = 	snop  }
0x3b: {  	_ = 	snop  }
0x3c: {  	p2 =	seq.s32 s10, $0x1;
	s10 =	sld [smem:$0x3FBB]  }
0x3d: {  	_ =	shalt  }
0x3e: {  	_ =	shalt  }
0x3f: {  	_ =	shalt  }
0x40: {  	_ =	shalt  }
0x41: {  	_ =	shalt  }
0x42: {  	_ =	shalt  }
0x43: {  	_ =	shalt  }
0x44: {  	_ =	shalt  }
0x45: {  	_ =	shalt  }
0x46: {  	_ =	shalt  }
0x47: {  	_ =	shalt  }
0x48: {  	_ =	shalt  }
0x49: {  	_ =	shalt  }
0x4a: {  	_ =	shalt  }
0x4b: {  	_ =	shalt  }
0x4c: {  	_ =	shalt  }
0x4d: {  	_ =	shalt  }
0x4e: {  	_ =	shalt  }
0x4f: {  	_ =	shalt  }
0x50: {  	_ =	shalt  }
0x51: {  	_ =	shalt  }
0x52: {  	_ =	shalt  }
0x53: {  	_ =	shalt  }
0x54: {  	_ =	shalt  }
0x55: {  	_ =	shalt  }
0x56: {  	_ =	shalt  }
0x57: {  	_ =	shalt  }
0x58: {  	_ =	shalt  }
0x59: {  	_ =	shalt  }
0x5a: {  	_ =	shalt  }
0x5b: {  	_ =	shalt  }
0x5c: {  	_ =	shalt  }
0x5d: {  	_ =	shalt  }
0x5e: {  	_ =	shalt  }
0x5f: {  	_ =	shalt  }
0x60: {  	_ =	shalt  }
0x61: {  	_ =	shalt  }
0x62: {  	_ =	shalt  }
0x63: {  	_ =	shalt  }
0x64: {  	_ =	shalt  }
0x65: {  	_ =	shalt  }
0x66: {  	_ =	shalt  }
0x67: {  	_ =	shalt  }
0x68: {  	_ =	shalt  }
0x69: {  	_ =	shalt  }
0x6a: {  	_ =	shalt  }
0x6b: {  	_ =	shalt  }
0x6c: {  	_ =	shalt  }
0x6d: {  	_ =	shalt  }
0x6e: {  	_ =	shalt  }
0x6f: {  	_ =	shalt  }
0x70: {  	_ =	shalt  }
0x71: {  	_ =	shalt  }
0x72: {  	_ =	shalt  }
0x73: {  	_ =	shalt  }
0x74: {  	_ =	shalt  }
0x75: {  	_ =	shalt  }
0x76: {  	_ =	shalt  }
0x77: {  	_ =	shalt  }
0x78: {  	_ =	shalt  }
0x79: {  	_ =	shalt  }
0x7a: {  	_ =	shalt  }
0x7b: {  	_ =	shalt  }
0x7c: {  	_ =	shalt  }
0x7d: {  	_ =	shalt  }
0x7e: {  	_ =	shalt  }
0x7f: {  	_ =	shalt  }
0x80: {  	_ =	shalt  }
0x81: {  	_ =	shalt  }
0x82: {  	_ =	shalt  }
0x83: {  	_ =	shalt  }
0x84: {  	_ =	shalt  }
0x85: {  	_ =	shalt  }
0x86: {  	_ =	shalt  }
0x87: {  	_ =	shalt  }
.Lfunc_end0:
.L_simem_size_0:
called_computation_lowered:
.L_overlay_start_0:
0x88: {  	s2 =	sld [smem:$0x3FD9]  }
0x89: {  	s3 =	sld [smem:$0x3FFE];
	_ =	sdelay $0x1  }
0x8a: {  	s1 =	srdreg.scid  }
0x8b: {  	s0 =	sand.u32 $0x1, s1  }
0x8c: {  	s18 =	sshll.u32 s0, $0xA;
	s2 =	sadd.s32 s3, s2  }
0x8d: {  	s2 =	sadd.s32 s2, s18  }
0x8e: {  	[smem:$0x3FC7] =	sst s2  }
0x8f: {  	_ = 	snop  }
0x90: {  	s2 =	sld [smem:$0x3FC9]  }
0x91: {  	s19 =	sld [smem:$0x3FD0];
	(tm) =	ssettm $0x1  }
0x92: {  	s4 =	sld [smem:$0x3FFB];
	_ =	sdelay $0x3  }
0x93: {  	_ =	strace s4  }
0x94: {  	s4 =	sld [smem:$0x3FFC];
	_ =	sdelay $0x3  }
0x95: {  	_ =	strace s4  }
0x96: {  	s4 =	sld [smem:$0x3FFD];
	_ =	sdelay $0x3  }
0x97: {  	_ =	strace s4  }
0x98: {  	_ =	strace $0x8FFFFFFF  }
0x99: {  	s20 =	sld [smem:$0x3FDB];
	_ =	sdelay $0x1  }
0x9a: {  	s5 =	simm.s32 $_scs_section_size  }
0x9b: {  	s6 =	simm.s32 $_size__tile_overlayer_lowered;
	s7 =	simm.s32 $_tile_overlayer_lowered  }
0x9c: {  	s23 =	simm.s32 $0x1BFF;
	s22 =	sshll.u32 s7, $0x1;
	s4 =	sadd.s32 s5, s20  }
0x9d: {  	s8 =	simm.s32 $0x0;
	s21 =	sshll.u32 s6, $0x1;
	s6 =	sadd.s32 s22, s4  }
0x9e: {  	[timem:s8], [sflag:s23] =	dma.local [hbm:s6], s21  }
0x9f: {  	_ =	swait.ge [sflag:s23], s21  }
0xa0: {  	s5 =	ssub.s32 $0x0, s21;
	[sflag:s23] =	ssyncset.done $0x0  }
0xa1: {  	[sflag:s23] =	ssyncadd.s32 s5;
	_ =	sdelay $0x1  }
0xa2: {  	s24 =	simm.s32 $0x1B8B  }
0xa3: {  	_ =	swait.ge [sflag:s24], $0x1  }
0xa4: {  	[sflag:s24] =	ssyncset.done $0x0  }
0xa5: {  	s25 =	simm.s32 $0x1B8E;
	[sflag:s24] =	ssyncadd.s32 $0xFFFFFFFF  }
0xa6: {  	s26 =	simm.s32 $execute0_lowered;
	[smem:$0x3FD2] =	sst s25  }
0xa7: {  	s5 =	sshll.u32 s26, $0x1;
	_ =	strace $0x80000046;
	[dreg:$0x1] =	wrdreg $0xFFFFFFFF  }
0xa8: {  	s28 =	simm.s32 $_size_execute0_lowered;
	s4 =	sadd.s32 s4, s5;
	[dreg:$0x0] =	wrdreg $0x0  }
0xa9: {  	s5 =	sshll.u32 s28, $0x1;
	[dreg:$0x2] =	wrdreg s4  }
0xaa: {  	[dreg:$0x3] =	wrdreg s5  }
0xab: {  	[dreg:$0x4] =	wrdreg $0xC0  }
0xac: {  	_ =	task [dreg:s8], $0x5FFFF  }
0xad: {  	[dreg:$0x1] =	wrdreg $0xFFFFFFFF  }
0xae: {  	[dreg:$0x0] =	wrdreg $0x60  }
0xaf: {  	[dreg:$0x2] =	wrdreg s2  }
0xb0: {  	[dreg:$0x3] =	wrdreg s19  }
0xb1: {  	[dreg:$0x4] =	wrdreg $0x9  }
0xb2: {  	_ =	task.clear_ibuf [dreg:s8], $0x5FFFF;
	_ =	strace $0x90000046  }
0xb3: {  	s29 =	simm.s32 $0x9;
	_ =	strace $0x80000048  }
0xb4: {  	_ =	swait.ge [sflag:s29], $0x1  }
0xb5: {  	[sflag:s29] =	ssyncadd.s32 $0xFFFFFFFF  }
0xb6: {  	_ =	strace $0x90000048  }
0xb7: {  	_ =	sfence  }
0xb8: {  	s30 =	sld [smem:$0x0];
	_ =	sdelay $0x2  }
0xb9: {  	s31 =	sshll.u32 s1, $0xD;
	s1 =	sshrl.u32 s1, $0x2  }
0xba: {  	s3 =	sand.u32 $0x4000, s31;
	s1 =	sadd.s32 s1, s30  }
0xbb: {  	s0 =	sor.u32 s3, s0;
	s1 =	sshll.u32 s1, $0x11  }
0xbc: {  	s0 =	sor.u32 s1, s0  }
0xbd: {  	s0 =	sadd.s32 $0x8F2B, s0  }
0xbe: {  	[sflag:s0] =	ssyncadd.remote.s32 $0x1  }
0xbf: {  	_ =	sfence.sel $0xFFFF  }
0xc0: {  	[dreg:$0x0] =	wrdreg $0xFFFFFFFF;
	(pc) =	sbr.abs _section_cstart, $3  }
0xc1: {  	[dreg:$0x1] =	wrdreg $0xFFFFFFFF  }
0xc2: {  	_ =	task.clear_ibuf [dreg:s8], $0x2FFFF;
	_ =	strace $0x9FFFFFFF  }
0xc3: {  	(tm) =	ssettm $0x7FFFFFFF  }
tec
execute0_lowered:
.L_overlay_start_1:
0x0: {  	(tag) =	ssettag $0x1  }
0x1: {  	s4 =	rddreg [dreg:$0x0]  }
0x2: {  	s5 =	rddreg [dreg:$0x1]  }
0x3: {  	s0 =	rddreg [dreg:$0x2];
	s2 =	simm.s32 $0x0  }
0x4: {  	s1 =	stileid.u32;
	s3 =	srdreg.scid;
	v1 =	vlaneseq.u32;
	s10 =	simm.s32 $0x2  }
0x5: {  	s11 =	simm.s32 $0x0;
	[smem:$0x7FF] =	sst s2;
	s6 =	sshll.u32 s1, $0xD;
	v2 =	vor.u32 $0x80000070, v1;
	v3 =	vor.u32 $0x80000060, v1  }
0x6: {  	s3 =	sand.u32 $0x1, s3;
	s7 =	sshll.u32 s1, $0x5;
	v4 =	vor.u32 $0x80000050, v1;
	v5 =	vor.u32 $0x80000040, v1;
	_ =	strace $0x80000047  }
0x7: {  	v0 =	vimm.s32 $0x1F;
	v6 =	vor.u32 $0x80000030, v1;
	v7 =	vor.u32 $0x80000020, v1;
	s6 =	sand.u32 $0x18000, s6;
	s8 =	sshll.u32 s3, $0x4;
	s7 =	sand.u32 $0x60, s7  }
0x8: {  	vm0 =	vmxor vm0, vm0;
	v8 =	vor.u32 $0x80000010, v1;
	v10 =	vor.u32 $0x800000F0, v1;
	s9 =	ssub.s32 $0x2, s3;
	s3 =	simm.s32 $0x400;
	s30 =	sor.u32 s8, s7  }
0x9: {  	v11 =	vor.u32 $0x800000E0, v1;
	v12 =	vor.u32 $0x800000D0, v1;
	v13 =	vor.u32 $0x800000C0, v1;
	s31 =	sshrl.u32 s9, $0x1;
	s8 =	simm.s32 $0x1;
	s6 =	sor.u32 s6, s30  }
0xa: {  	v9 =	vor.u32 $0x80000000, v1;
	v14 =	vor.u32 $0x800000B0, v1;
	v15 =	vor.u32 $0x800000A0, v1;
	s7 =	ssub.s32 s9, s31;
	s9 =	simm.s32 $0x8000;
	s4 =	sadd.s32 s4, s6  }
0xb: {  	v16 =	vor.u32 $0x80000090, v1;
	v17 =	vor.u32 $0x80000080, v1;
	v18 =	vor.u32 $0x10, v1;
	s5 =	sadd.s32 s5, s6;
	s6 =	smax.u32 s7, $0x1;
	s7 =	simm.s32 $0x80  }
.LBB2_1:
0xc: {  	[tilespmem:s2], [sflag:$0x1] =	stream.strided.gather [hbm4b:s4+s7], $0x8000, s3, s7, $0x38;
	[tilespmem:$0x10880] =	vst v63  }
0xd: {  	s12 =	simm.s32 $0x0;
	s13 =	simm.s32 $0x400  }
.LBB2_2:
0xe: {  	p0 =	sne.s32 s13, $0x1FC00;
	[tilespmem:s12+$0x80F0] =	vst v0  }
0xf: {  	[tilespmem:s12+$0x8000] =	vst v0  }
0x10: {  	[tilespmem:s12+$0x8010] =	vst v0  }
0x11: {  	[tilespmem:s12+$0x8020] =	vst v0  }
0x12: {  	[tilespmem:s12+$0x8030] =	vst v0  }
0x13: {  	[tilespmem:s12+$0x8040] =	vst v0  }
0x14: {  	[tilespmem:s12+$0x8050] =	vst v0  }
0x15: {  	[tilespmem:s12+$0x8060] =	vst v0  }
0x16: {  	[tilespmem:s12+$0x8070] =	vst v0  }
0x17: {  	[tilespmem:s12+$0x8080] =	vst v0  }
0x18: {  	[tilespmem:s12+$0x8090] =	vst v0  }
.Ltmp0:
0x19: {  	[tilespmem:s12+$0x80A0] =	vst v0;
	(pc) =	sbr.rel @p0 .LBB2_2-.Ltmp0, $4  }
0x1a: {  	[tilespmem:s12+$0x80B0] =	vst v0  }
0x1b: {  	[tilespmem:s12+$0x80C0] =	vst v0  }
0x1c: {  	[tilespmem:s12+$0x80D0] =	vst v0  }
0x1d: {  	[tilespmem:s12+$0x80E0] =	vst v0;
	s12 =	sshra.s32 s13, $0x2;
	s13 =	sadd.s32 $0x400, s13  }
0x1e: {  	[tilespmem:s12+$0x80F0] =	vst v0  }
0x1f: {  	[tilespmem:s12+$0x8000] =	vst v0  }
0x20: {  	[tilespmem:s12+$0x8010] =	vst v0  }
0x21: {  	[tilespmem:s12+$0x8020] =	vst v0  }
0x22: {  	[tilespmem:s12+$0x8030] =	vst v0  }
0x23: {  	[tilespmem:s12+$0x8040] =	vst v0  }
0x24: {  	[tilespmem:s12+$0x8050] =	vst v0  }
0x25: {  	[tilespmem:s12+$0x8060] =	vst v0  }
0x26: {  	[tilespmem:s12+$0x8070] =	vst v0  }
0x27: {  	[tilespmem:s12+$0x8080] =	vst v0  }
0x28: {  	[tilespmem:s12+$0x8090] =	vst v0  }
0x29: {  	[tilespmem:s12+$0x80A0] =	vst v0  }
0x2a: {  	[tilespmem:s12+$0x80B0] =	vst v0  }
0x2b: {  	[tilespmem:s12+$0x80C0] =	vst v0  }
0x2c: {  	[tilespmem:s12+$0x80D0] =	vst v0  }
0x2d: {  	[tilespmem:s12+$0x80E0] =	vst v0  }
0x2e: {  	_ =	swait.ge [sflag:s8], $0x8000  }
0x2f: {  	s12 =	simm.s32 $0x0;
	[sflag:s8] =	ssyncset.done $0x0  }
0x30: {  	s13 =	simm.s32 $0x80;
	s14 =	simm.s32 $0x0;
	[sflag:s8] =	ssyncadd.s32 $0xFFFF8000  }
.LBB2_4:
0x31: {  	v19 =	vld [tilespmem:s13+$0xFFFFFF80]  }
0x32: {  	v20 =	vld [tilespmem:s13+$0xFFFFFF90]  }
0x33: {  	v21 =	vld [tilespmem:s13+$0xFFFFFFA0]  }
0x34: {  	v22 =	vld [tilespmem:s13+$0xFFFFFFB0]  }
0x35: {  	v23 =	vld [tilespmem:s13+$0xFFFFFFC0]  }
0x36: {  	v24 =	vld [tilespmem:s13+$0xFFFFFFD0];
	v19 =	vand.u32 $0x7FFFFFFF, v19  }
0x37: {  	v25 =	vld [tilespmem:s13+$0xFFFFFFE0];
	v20 =	vand.u32 $0x7FFFFFFF, v20;
	[tilespmem:s13+$0xFFFFFF80] =	vst v19  }
0x38: {  	v26 =	vld [tilespmem:s13+$0xFFFFFFF0];
	v21 =	vand.u32 $0x7FFFFFFF, v21;
	[tilespmem:s13+$0xFFFFFF90] =	vst v20;
	v19 =	vmax.f32 v19, v20  }
0x39: {  	v27 =	vld [tilespmem:s13+$0x0];
	v22 =	vand.u32 $0x7FFFFFFF, v22;
	[tilespmem:s13+$0xFFFFFFA0] =	vst v21;
	v19 =	vmax.f32 v19, v21  }
0x3a: {  	v28 =	vld [tilespmem:s13+$0x10];
	v23 =	vand.u32 $0x7FFFFFFF, v23;
	[tilespmem:s13+$0xFFFFFFB0] =	vst v22;
	v19 =	vmax.f32 v19, v22  }
0x3b: {  	v29 =	vld [tilespmem:s13+$0x20];
	v24 =	vand.u32 $0x7FFFFFFF, v24;
	[tilespmem:s13+$0xFFFFFFC0] =	vst v23;
	v19 =	vmax.f32 v19, v23  }
0x3c: {  	v30 =	vld [tilespmem:s13+$0x30];
	v25 =	vand.u32 $0x7FFFFFFF, v25;
	[tilespmem:s13+$0xFFFFFFD0] =	vst v24;
	v19 =	vmax.f32 v19, v24  }
0x3d: {  	v31 =	vld [tilespmem:s13+$0x40];
	v26 =	vand.u32 $0x7FFFFFFF, v26;
	[tilespmem:s13+$0xFFFFFFE0] =	vst v25;
	v19 =	vmax.f32 v19, v25  }
0x3e: {  	v32 =	vld [tilespmem:s13+$0x50];
	v27 =	vand.u32 $0x7FFFFFFF, v27;
	[tilespmem:s13+$0xFFFFFFF0] =	vst v26;
	v19 =	vmax.f32 v19, v26  }
0x3f: {  	v28 =	vand.u32 $0x7FFFFFFF, v28;
	[tilespmem:s13+$0x0] =	vst v27;
	v20 =	vld [tilespmem:s13+$0x60];
	v19 =	vmax.f32 v19, v27  }
0x40: {  	v63 =	vld [tilespmem:s13+$0x70];
	v29 =	vand.u32 $0x7FFFFFFF, v29;
	[tilespmem:s13+$0x10] =	vst v28;
	v19 =	vmax.f32 v19, v28  }
0x41: {  	v30 =	vand.u32 $0x7FFFFFFF, v30;
	[tilespmem:s13+$0x20] =	vst v29;
	v19 =	vmax.f32 v19, v29  }
0x42: {  	p0 =	sne.s32 s14, $0x1FC0;
	v31 =	vand.u32 $0x7FFFFFFF, v31;
	[tilespmem:s13+$0x30] =	vst v30;
	v19 =	vmax.f32 v19, v30  }
.Ltmp1:
0x43: {  	v32 =	vand.u32 $0x7FFFFFFF, v32;
	[tilespmem:s13+$0x40] =	vst v31;
	v19 =	vmax.f32 v19, v31;
	(pc) =	sbr.rel @p0 .LBB2_4-.Ltmp1, $4  }
0x44: {  	[tilespmem:s13+$0x50] =	vst v32;
	v20 =	vand.u32 $0x7FFFFFFF, v20;
	v19 =	vmax.f32 v19, v32  }
0x45: {  	[tilespmem:s13+$0x60] =	vst v20;
	v19 =	vmax.f32 v19, v20;
	v20 =	vand.u32 $0x7FFFFFFF, v63  }
0x46: {  	s15 =	sshra.s32 s14, $0x2;
	[tilespmem:s13+$0x70] =	vst v20;
	v19 =	vmax.f32 v19, v20  }
0x47: {  	s14 =	sadd.s32 $0x40, s14;
	s13 =	sadd.s32 $0x100, s13;
	[tilespmem:s15+$0x10000] =	vst v19  }
0x48: {  	s13 =	simm.s32 $0x10080  }
0x49: {  	v19 =	vld [tilespmem:s13+$0xFFFFFF90]  }
0x4a: {  	s14 =	simm.s32 $0x40;
	v20 =	vld [tilespmem:s13+$0xFFFFFF80]  }
.LBB2_6:
0x4b: {  	p0 =	sne.s32 s14, $0x1C0;
	v21 =	vld [tilespmem:s13+$0xFFFFFFA0]  }
0x4c: {  	v22 =	vld [tilespmem:s13+$0xFFFFFFB0]  }
0x4d: {  	v23 =	vld [tilespmem:s13+$0xFFFFFFC0]  }
0x4e: {  	v24 =	vld [tilespmem:s13+$0xFFFFFFD0]  }
0x4f: {  	v19 =	vmax.f32 v20, v19;
	v20 =	vld [tilespmem:s13+$0xFFFFFFE0]  }
0x50: {  	v19 =	vmax.f32 v19, v21;
	v21 =	vld [tilespmem:s13+$0xFFFFFFF0]  }
0x51: {  	v19 =	vmax.f32 v19, v22;
	v22 =	vld [tilespmem:s13+$0x0]  }
0x52: {  	v19 =	vmax.f32 v19, v23;
	v23 =	vld [tilespmem:s13+$0x10]  }
0x53: {  	v19 =	vmax.f32 v19, v24;
	v24 =	vld [tilespmem:s13+$0x20]  }
0x54: {  	v19 =	vmax.f32 v19, v20;
	v20 =	vld [tilespmem:s13+$0x30]  }
0x55: {  	v19 =	vmax.f32 v19, v21;
	v21 =	vld [tilespmem:s13+$0x40]  }
0x56: {  	v19 =	vmax.f32 v19, v22;
	v22 =	vld [tilespmem:s13+$0x50]  }
0x57: {  	v19 =	vmax.f32 v19, v23;
	v23 =	vld [tilespmem:s13+$0x60]  }
0x58: {  	v19 =	vmax.f32 v19, v24;
	v24 =	vld [tilespmem:s13+$0x70]  }
0x59: {  	v19 =	vmax.f32 v19, v20  }
0x5a: {  	v19 =	vmax.f32 v19, v21  }
0x5b: {  	v19 =	vmax.f32 v19, v22  }
.Ltmp2:
0x5c: {  	v19 =	vmax.f32 v19, v23;
	(pc) =	sbr.rel @p0 .LBB2_6-.Ltmp2, $4  }
0x5d: {  	s15 =	sshra.s32 s12, $0x2;
	s12 =	smov.u32 s14;
	v19 =	vmax.f32 v19, v24  }
0x5e: {  	s13 =	sadd.s32 $0x100, s13;
	[tilespmem:s15+$0x10800] =	vst v19  }
0x5f: {  	v19 =	vld [tilespmem:s13+$0xFFFFFF90]  }
0x60: {  	s14 =	sadd.s32 $0x40, s14;
	v20 =	vld [tilespmem:s13+$0xFFFFFF80]  }
0x61: {  	v21 =	vld [tilespmem:s13+$0xFFFFFFA0]  }
0x62: {  	v22 =	vld [tilespmem:s13+$0xFFFFFFB0]  }
0x63: {  	v23 =	vld [tilespmem:s13+$0xFFFFFFC0]  }
0x64: {  	v24 =	vld [tilespmem:s13+$0xFFFFFFD0]  }
0x65: {  	v19 =	vmax.f32 v20, v19;
	v20 =	vld [tilespmem:s13+$0xFFFFFFE0]  }
0x66: {  	v19 =	vmax.f32 v19, v21;
	v21 =	vld [tilespmem:s13+$0xFFFFFFF0]  }
0x67: {  	v19 =	vmax.f32 v19, v22;
	v22 =	vld [tilespmem:s13+$0x0]  }
0x68: {  	v19 =	vmax.f32 v19, v23;
	v23 =	vld [tilespmem:s13+$0x10]  }
0x69: {  	v51 =	vld [tilespmem:s13+$0x20];
	v19 =	vmax.f32 v19, v24  }
0x6a: {  	v19 =	vmax.f32 v19, v20;
	v20 =	vld [tilespmem:s13+$0x30]  }
0x6b: {  	v19 =	vmax.f32 v19, v21;
	v21 =	vld [tilespmem:s13+$0x40]  }
0x6c: {  	v19 =	vmax.f32 v19, v22;
	v22 =	vld [tilespmem:s13+$0x50]  }
0x6d: {  	v19 =	vmax.f32 v19, v23;
	v23 =	vld [tilespmem:s13+$0x60]  }
0x6e: {  	v52 =	vld [tilespmem:s13+$0x70];
	v19 =	vmax.f32 v19, v51  }
0x6f: {  	v19 =	vmax.f32 v19, v20  }
0x70: {  	v19 =	vmax.f32 v19, v21  }
0x71: {  	v19 =	vmax.f32 v19, v22  }
0x72: {  	v19 =	vmax.f32 v19, v23  }
0x73: {  	s12 =	sshra.s32 s12, $0x2;
	v19 =	vmax.f32 v19, v52  }
0x74: {  	[tilespmem:s12+$0x10800] =	vst v19  }
0x75: {  	v19 =	vld [tilespmem:$0x10810]  }
0x76: {  	v20 =	vld [tilespmem:$0x10800]  }
0x77: {  	v21 =	vld [tilespmem:$0x10820]  }
0x78: {  	v22 =	vld [tilespmem:$0x10830]  }
0x79: {  	v23 =	vld [tilespmem:$0x10840]  }
0x7a: {  	v53 =	vld [tilespmem:$0x10850]  }
0x7b: {  	v26 =	vld [tilespmem:$0x10860];
	v25 =	vmax.f32 v20, v19  }
0x7c: {  	v27 =	vld [tilespmem:$0x10870];
	v25 =	vmax.f32 v25, v21  }
0x7d: {  	v25 =	vmax.f32 v25, v22  }
0x7e: {  	v25 =	vmax.f32 v25, v23  }
0x7f: {  	v25 =	vmax.f32 v25, v53  }
0x80: {  	v25 =	vmax.f32 v25, v26  }
0x81: {  	v25 =	vmax.f32 v25, v27  }
0x82: {  	(xrf0) =	vmax.scan.msk.f32 $0xffff, v25;
	_ =	sdelay $0x5  }
0x83: {  	v25, _, _ =	vpop (xrf0)  }
0x84: {  	v25 =	vbroadcast v25, $0xF;
	_ =	sdelay $0x1  }
0x85: {  	vm1 =	veq.f32 v27, v25  }
0x86: {  	vm2 =	veq.f32 v26, v25;
	v54 =	vnsel vm1, $0xC0000000, v2  }
0x87: {  	vm1 =	veq.f32 v53, v25;
	v55 =	vsel vm2, v3, v54  }
0x88: {  	vm2 =	veq.f32 v23, v25;
	v23 =	vsel vm1, v4, v55  }
0x89: {  	vm1 =	veq.f32 v22, v25;
	v22 =	vsel vm2, v5, v23  }
0x8a: {  	vm2 =	veq.f32 v21, v25;
	v21 =	vsel vm1, v6, v22  }
0x8b: {  	vm1 =	veq.f32 v19, v25;
	v19 =	vsel vm2, v7, v21  }
0x8c: {  	vm2 =	veq.f32 v20, v25;
	v19 =	vsel vm1, v8, v19  }
0x8d: {  	v19 =	vsel vm2, v9, v19  }
0x8e: {  	(xrf0) =	vmin.scan.msk.u32 $0xffff, v19;
	_ =	sdelay $0x5  }
0x8f: {  	v19, _, _ =	vpop (xrf0)  }
0x90: {  	(v2sf) =	vpush v19, $0xF;
	_ =	sdelay $0xe  }
0x91: {  	s12 =	spop (v2sf)  }
0x92: {  	s30 =	sshll.u32 s12, $0x4  }
0x93: {  	s13 =	sand.u32 $0xFFFFFF00, s30  }
0x94: {  	v19 =	vld [tilespmem:s13+$0x100F0]  }
0x95: {  	v20 =	vld [tilespmem:s13+$0x100E0]  }
0x96: {  	v21 =	vld [tilespmem:s13+$0x100D0]  }
0x97: {  	v22 =	vld [tilespmem:s13+$0x100C0]  }
0x98: {  	v23 =	vld [tilespmem:s13+$0x100B0]  }
0x99: {  	v56 =	vld [tilespmem:s13+$0x100A0];
	vm1 =	veq.f32 v19, v25  }
0x9a: {  	vm2 =	veq.f32 v20, v25;
	v19 =	vld [tilespmem:s13+$0x10090];
	v20 =	vnsel vm1, $0xC0000000, v10  }
0x9b: {  	v57 =	vld [tilespmem:s13+$0x10080];
	vm1 =	veq.f32 v21, v25;
	v20 =	vsel vm2, v11, v20  }
0x9c: {  	v21 =	vld [tilespmem:s13+$0x10070];
	vm2 =	veq.f32 v22, v25;
	v20 =	vsel vm1, v12, v20  }
0x9d: {  	v22 =	vld [tilespmem:s13+$0x10060];
	vm1 =	veq.f32 v23, v25;
	v20 =	vsel vm2, v13, v20  }
0x9e: {  	v23 =	vld [tilespmem:s13+$0x10050];
	vm2 =	veq.f32 v56, v25;
	v20 =	vsel vm1, v14, v20  }
0x9f: {  	v58 =	vld [tilespmem:s13+$0x10040];
	vm1 =	veq.f32 v19, v25;
	v19 =	vsel vm2, v15, v20  }
0xa0: {  	v20 =	vld [tilespmem:s13+$0x10030];
	vm2 =	veq.f32 v57, v25;
	v19 =	vsel vm1, v16, v19  }
0xa1: {  	v59 =	vld [tilespmem:s13+$0x10020];
	vm1 =	veq.f32 v21, v25;
	v19 =	vsel vm2, v17, v19  }
0xa2: {  	v21 =	vld [tilespmem:s13+$0x10010];
	vm2 =	veq.f32 v22, v25;
	v19 =	vsel vm1, v2, v19  }
0xa3: {  	v22 =	vld [tilespmem:s13+$0x10000];
	vm1 =	veq.f32 v23, v25;
	v19 =	vsel vm2, v3, v19  }
0xa4: {  	vm2 =	veq.f32 v58, v25;
	v19 =	vsel vm1, v4, v19  }
0xa5: {  	vm1 =	veq.f32 v20, v25;
	v19 =	vsel vm2, v5, v19  }
0xa6: {  	vm2 =	veq.f32 v59, v25;
	v19 =	vsel vm1, v6, v19  }
0xa7: {  	vm1 =	veq.f32 v21, v25;
	v19 =	vsel vm2, v7, v19  }
0xa8: {  	vm2 =	veq.f32 v22, v25;
	v19 =	vsel vm1, v8, v19  }
0xa9: {  	v19 =	vsel vm2, v9, v19  }
0xaa: {  	(xrf0) =	vmin.scan.msk.u32 $0xffff, v19;
	_ =	sdelay $0x5  }
0xab: {  	v19, _, _ =	vpop (xrf0)  }
0xac: {  	(v2sf) =	vpush v19, $0xF;
	_ =	sdelay $0xe  }
0xad: {  	s14 =	sand.u32 $0xFFFFFFF0, s12;
	s15 =	spop (v2sf)  }
0xae: {  	s16 =	sxor.u32 $0x80000000, s14;
	s31 =	sshrl.u32 s15, $0x4  }
0xaf: {  	s18 =	sadd.s32 s16, s31  }
0xb0: {  	s17 =	sshll.u32 s18, $0x8  }
0xb1: {  	v19 =	vld [tilespmem:s17+$0xF0]  }
0xb2: {  	v20 =	vld [tilespmem:s17+$0xE0]  }
0xb3: {  	v21 =	vld [tilespmem:s17+$0xD0]  }
0xb4: {  	v22 =	vld [tilespmem:s17+$0xC0]  }
0xb5: {  	v23 =	vld [tilespmem:s17+$0xB0]  }
0xb6: {  	v60 =	vld [tilespmem:s17+$0xA0];
	vm1 =	veq.f32 v19, v25  }
0xb7: {  	v19 =	vld [tilespmem:s17+$0x90];
	vm2 =	veq.f32 v20, v25;
	v20 =	vnsel vm1, $0xC0000000, v10  }
0xb8: {  	v61 =	vld [tilespmem:s17+$0x80];
	vm1 =	veq.f32 v21, v25;
	v20 =	vsel vm2, v11, v20  }
0xb9: {  	v21 =	vld [tilespmem:s17+$0x70];
	vm2 =	veq.f32 v22, v25;
	v20 =	vsel vm1, v12, v20  }
0xba: {  	v22 =	vld [tilespmem:s17+$0x60];
	vm1 =	veq.f32 v23, v25;
	v20 =	vsel vm2, v13, v20  }
0xbb: {  	v23 =	vld [tilespmem:s17+$0x50];
	vm2 =	veq.f32 v60, v25;
	v20 =	vsel vm1, v14, v20  }
0xbc: {  	v62 =	vld [tilespmem:s17+$0x40];
	vm1 =	veq.f32 v19, v25;
	v19 =	vsel vm2, v15, v20  }
0xbd: {  	v20 =	vld [tilespmem:s17+$0x30];
	vm2 =	veq.f32 v61, v25;
	v19 =	vsel vm1, v16, v19  }
0xbe: {  	v63 =	vld [tilespmem:s17+$0x20];
	vm1 =	veq.f32 v21, v25;
	v19 =	vsel vm2, v17, v19  }
0xbf: {  	v21 =	vld [tilespmem:s17+$0x10];
	vm2 =	veq.f32 v22, v25;
	v19 =	vsel vm1, v2, v19  }
0xc0: {  	v22 =	vld [tilespmem:s17+$0x0];
	vm1 =	veq.f32 v23, v25;
	v19 =	vsel vm2, v3, v19  }
0xc1: {  	vm2 =	veq.f32 v62, v25;
	v19 =	vsel vm1, v4, v19  }
0xc2: {  	vm1 =	veq.f32 v20, v25;
	v19 =	vsel vm2, v5, v19  }
0xc3: {  	vm2 =	veq.f32 v63, v25;
	v19 =	vsel vm1, v6, v19  }
0xc4: {  	vm1 =	veq.f32 v21, v25;
	v19 =	vsel vm2, v7, v19  }
0xc5: {  	vm2 =	veq.f32 v22, v25;
	v19 =	vsel vm1, v8, v19  }
0xc6: {  	s14 =	simm.s32 $0x0;
	v20 =	vsel vm2, v9, v19  }
0xc7: {  	s15 =	simm.s32 $0x1;
	s16 =	sand.u32 $0xFFFFFF80, s16;
	s18 =	sshll.u32 s18, $0x6;
	v19 =	vimm.s32 $0x0;
	(xrf0) =	vmin.scan.msk.u32 $0xffff, v20;
	v20 =	vimm.s32 $0x0  }
.LBB2_8:
0xc8: {  	_ =	sdelay $0x4  }
0xc9: {  	p0 =	sne.s32 s15, $0x1E;
	s19 =	smov.u32 s15;
	s15 =	sadd.s32 $0x1, s15;
	v21, _, _ =	vpop (xrf0)  }
0xca: {  	(v2sf) =	vpush v21, $0xF;
	_ =	sdelay $0xc  }
0xcb: {  	s20 =	sadd.s32 $0xFFFFFFF0, s14  }
0xcc: {  	s20 =	smin.u32 s14, s20  }
0xcd: {  	p1 =	slt.u32 s14, $0x10;
	p2 =	sgt.u32 s14, $0xF;
	vm2 =	vmmov vm0;
	vm3 =	vmmov vm0;
	v21 =	vmov s20;
	s20 =	spop (v2sf)  }
0xce: {  	vm2 =	vmneg @p1 vm2;
	vm3 =	vmneg @p2 vm3;
	s14 =	smov.u32 s19;
	vm1 =	veq.s32 v21, v1;
	s21 =	sadd.s32 s20, s17;
	s22 =	sand.u32 $0xF, s20  }
0xcf: {  	vm2 =	vmand vm2, vm1;
	vm1 =	vmand vm3, vm1;
	s19 =	sadd.s32 $0x80000000, s21;
	v21 =	vmov s22  }
0xd0: {  	s20 =	sand.u32 $0x70, s20;
	s21 =	sand.u32 $0xFFFFFF80, s19;
	v19 =	vsel vm2, s19, v19;
	v20 =	vsel vm1, s19, v20  }
0xd1: {  	s19 =	sor.u32 s20, s21  }
0xd2: {  	v22 =	vld [tilespmem:s19+$0x0];
	_ =	sdelay $0x3  }
0xd3: {  	vm1 =	veq.s32 v21, v1  }
0xd4: {  	v21 =	vsel vm1, $0xBF800000, v22  }
0xd5: {  	[tilespmem:s19+$0x0] =	vst v21  }
0xd6: {  	v21 =	vld [tilespmem:s17+$0x0]  }
0xd7: {  	v22 =	vld [tilespmem:s17+$0x10]  }
0xd8: {  	v23 =	vld [tilespmem:s17+$0x20]  }
0xd9: {  	v24 =	vld [tilespmem:s17+$0x30]  }
0xda: {  	v25 =	vld [tilespmem:s17+$0x40]  }
0xdb: {  	v26 =	vld [tilespmem:s17+$0x50]  }
0xdc: {  	v21 =	vmax.f32 v21, v22;
	v22 =	vld [tilespmem:s17+$0x60]  }
0xdd: {  	v21 =	vmax.f32 v21, v23;
	v23 =	vld [tilespmem:s17+$0x70]  }
0xde: {  	v21 =	vmax.f32 v21, v24;
	v24 =	vld [tilespmem:s17+$0x80]  }
0xdf: {  	v21 =	vmax.f32 v21, v25;
	v25 =	vld [tilespmem:s17+$0x90]  }
0xe0: {  	v21 =	vmax.f32 v21, v26;
	v26 =	vld [tilespmem:s17+$0xA0]  }
0xe1: {  	v21 =	vmax.f32 v21, v22;
	v22 =	vld [tilespmem:s17+$0xB0]  }
0xe2: {  	v21 =	vmax.f32 v21, v23;
	v23 =	vld [tilespmem:s17+$0xC0]  }
0xe3: {  	v21 =	vmax.f32 v21, v24;
	v24 =	vld [tilespmem:s17+$0xD0]  }
0xe4: {  	v21 =	vmax.f32 v21, v25;
	v25 =	vld [tilespmem:s17+$0xE0]  }
0xe5: {  	v21 =	vmax.f32 v21, v26;
	v26 =	vld [tilespmem:s17+$0xF0]  }
0xe6: {  	v21 =	vmax.f32 v21, v22  }
0xe7: {  	v21 =	vmax.f32 v21, v23  }
0xe8: {  	v21 =	vmax.f32 v21, v24  }
0xe9: {  	v21 =	vmax.f32 v21, v25  }
0xea: {  	s17 =	sshra.s32 s18, $0x2;
	v21 =	vmax.f32 v21, v26  }
0xeb: {  	[tilespmem:s17+$0x10000] =	vst v21  }
0xec: {  	v21 =	vld [tilespmem:s13+$0x10010]  }
0xed: {  	v22 =	vld [tilespmem:s13+$0x10000]  }
0xee: {  	v23 =	vld [tilespmem:s13+$0x10020]  }
0xef: {  	v24 =	vld [tilespmem:s13+$0x10030]  }
0xf0: {  	v25 =	vld [tilespmem:s13+$0x10040]  }
0xf1: {  	v26 =	vld [tilespmem:s13+$0x10050]  }
0xf2: {  	v21 =	vmax.f32 v22, v21;
	v22 =	vld [tilespmem:s13+$0x10060]  }
0xf3: {  	v21 =	vmax.f32 v21, v23;
	v23 =	vld [tilespmem:s13+$0x10070]  }
0xf4: {  	v21 =	vmax.f32 v21, v24;
	v24 =	vld [tilespmem:s13+$0x10080]  }
0xf5: {  	v21 =	vmax.f32 v21, v25;
	v25 =	vld [tilespmem:s13+$0x10090]  }
0xf6: {  	v21 =	vmax.f32 v21, v26;
	v26 =	vld [tilespmem:s13+$0x100A0]  }
0xf7: {  	v21 =	vmax.f32 v21, v22;
	v22 =	vld [tilespmem:s13+$0x100B0]  }
0xf8: {  	v21 =	vmax.f32 v21, v23;
	v23 =	vld [tilespmem:s13+$0x100C0]  }
0xf9: {  	v21 =	vmax.f32 v21, v24;
	v24 =	vld [tilespmem:s13+$0x100D0]  }
0xfa: {  	v21 =	vmax.f32 v21, v25;
	v25 =	vld [tilespmem:s13+$0x100E0]  }
0xfb: {  	v21 =	vmax.f32 v21, v26;
	v26 =	vld [tilespmem:s13+$0x100F0]  }
0xfc: {  	v21 =	vmax.f32 v21, v22  }
0xfd: {  	v21 =	vmax.f32 v21, v23  }
0xfe: {  	v21 =	vmax.f32 v21, v24  }
0xff: {  	s12 =	sand.u32 $0x70, s12;
	v21 =	vmax.f32 v21, v25  }
0x100: {  	s12 =	sor.u32 s12, s16;
	v21 =	vmax.f32 v21, v26  }
0x101: {  	[tilespmem:s12+$0x10800] =	vst v21  }
0x102: {  	v22 =	vld [tilespmem:$0x10810]  }
0x103: {  	v23 =	vld [tilespmem:$0x10800]  }
0x104: {  	v24 =	vld [tilespmem:$0x10820]  }
0x105: {  	v25 =	vld [tilespmem:$0x10830]  }
0x106: {  	v26 =	vld [tilespmem:$0x10840]  }
0x107: {  	v27 =	vld [tilespmem:$0x10850]  }
0x108: {  	v21 =	vmax.f32 v23, v22;
	v28 =	vld [tilespmem:$0x10860]  }
0x109: {  	v21 =	vmax.f32 v21, v24;
	v29 =	vld [tilespmem:$0x10870]  }
0x10a: {  	v21 =	vmax.f32 v21, v25  }
0x10b: {  	v21 =	vmax.f32 v21, v26  }
0x10c: {  	v21 =	vmax.f32 v21, v27  }
0x10d: {  	v21 =	vmax.f32 v21, v28  }
0x10e: {  	v21 =	vmax.f32 v21, v29  }
0x10f: {  	(xrf0) =	vmax.scan.msk.f32 $0xffff, v21;
	_ =	sdelay $0x5  }
0x110: {  	v21, _, _ =	vpop (xrf0)  }
0x111: {  	v21 =	vbroadcast v21, $0xF;
	_ =	sdelay $0x1  }
0x112: {  	vm1 =	veq.f32 v24, v21;
	vm2 =	veq.f32 v25, v21;
	vm3 =	veq.f32 v29, v21  }
0x113: {  	vm4 =	veq.f32 v22, v21;
	vm5 =	veq.f32 v28, v21;
	v22 =	vnsel vm3, $0xC0000000, v2  }
0x114: {  	vm6 =	veq.f32 v27, v21;
	vm3 =	veq.f32 v23, v21;
	v22 =	vsel vm5, v3, v22  }
0x115: {  	vm5 =	veq.f32 v26, v21;
	v22 =	vsel vm6, v4, v22  }
0x116: {  	v22 =	vsel vm5, v5, v22  }
0x117: {  	v22 =	vsel vm2, v6, v22  }
0x118: {  	v22 =	vsel vm1, v7, v22  }
0x119: {  	v22 =	vsel vm4, v8, v22  }
0x11a: {  	v22 =	vsel vm3, v9, v22  }
0x11b: {  	(xrf0) =	vmin.scan.msk.u32 $0xffff, v22;
	_ =	sdelay $0x5  }
0x11c: {  	v22, _, _ =	vpop (xrf0)  }
0x11d: {  	(v2sf) =	vpush v22, $0xF;
	_ =	sdelay $0xe  }
0x11e: {  	s12 =	spop (v2sf)  }
0x11f: {  	s13 =	sshll.u32 s12, $0x4;
	s16 =	sand.u32 $0xFFFFFFF0, s12  }
0x120: {  	s13 =	sand.u32 $0xFFFFFF00, s13  }
0x121: {  	v22 =	vld [tilespmem:s13+$0x100E0]  }
0x122: {  	v23 =	vld [tilespmem:s13+$0x100F0]  }
0x123: {  	v24 =	vld [tilespmem:s13+$0x100C0]  }
0x124: {  	v25 =	vld [tilespmem:s13+$0x100D0];
	_ =	sdelay $0x1  }
0x125: {  	v26 =	vld [tilespmem:s13+$0x100B0];
	vm1 =	veq.f32 v22, v21  }
0x126: {  	v22 =	vld [tilespmem:s13+$0x100A0];
	vm2 =	veq.f32 v23, v21  }
0x127: {  	v23 =	vld [tilespmem:s13+$0x10090];
	vm3 =	veq.f32 v24, v21;
	v24 =	vnsel vm2, $0xC0000000, v10  }
0x128: {  	v27 =	vld [tilespmem:s13+$0x10080];
	vm2 =	veq.f32 v25, v21;
	v24 =	vsel vm1, v11, v24  }
0x129: {  	v25 =	vld [tilespmem:s13+$0x10070];
	v24 =	vsel vm2, v12, v24  }
0x12a: {  	v28 =	vld [tilespmem:s13+$0x10060];
	vm1 =	veq.f32 v26, v21;
	v24 =	vsel vm3, v13, v24  }
0x12b: {  	v26 =	vld [tilespmem:s13+$0x10050];
	vm2 =	veq.f32 v22, v21;
	v22 =	vsel vm1, v14, v24  }
0x12c: {  	v24 =	vld [tilespmem:s13+$0x10040];
	vm1 =	veq.f32 v23, v21;
	v22 =	vsel vm2, v15, v22  }
0x12d: {  	v23 =	vld [tilespmem:s13+$0x10030];
	vm2 =	veq.f32 v27, v21;
	v22 =	vsel vm1, v16, v22  }
0x12e: {  	v27 =	vld [tilespmem:s13+$0x10020];
	vm1 =	veq.f32 v25, v21;
	v22 =	vsel vm2, v17, v22  }
0x12f: {  	v25 =	vld [tilespmem:s13+$0x10010];
	vm2 =	veq.f32 v28, v21;
	v22 =	vsel vm1, v2, v22  }
0x130: {  	v28 =	vld [tilespmem:s13+$0x10000];
	vm1 =	veq.f32 v26, v21;
	v22 =	vsel vm2, v3, v22  }
0x131: {  	vm2 =	veq.f32 v24, v21;
	v22 =	vsel vm1, v4, v22  }
0x132: {  	vm1 =	veq.f32 v23, v21;
	v22 =	vsel vm2, v5, v22  }
0x133: {  	vm2 =	veq.f32 v27, v21;
	v22 =	vsel vm1, v6, v22  }
0x134: {  	vm1 =	veq.f32 v25, v21;
	v22 =	vsel vm2, v7, v22  }
0x135: {  	vm2 =	veq.f32 v28, v21;
	v22 =	vsel vm1, v8, v22  }
0x136: {  	v22 =	vsel vm2, v9, v22  }
0x137: {  	(xrf0) =	vmin.scan.msk.u32 $0xffff, v22;
	_ =	sdelay $0x5  }
0x138: {  	v22, _, _ =	vpop (xrf0)  }
0x139: {  	(v2sf) =	vpush v22, $0xF;
	_ =	sdelay $0xe  }
0x13a: {  	s17 =	spop (v2sf)  }
0x13b: {  	s16 =	sxor.u32 $0x80000000, s16;
	s17 =	sshrl.u32 s17, $0x4  }
0x13c: {  	s18 =	sadd.s32 s16, s17;
	s16 =	sand.u32 $0xFFFFFF80, s16  }
0x13d: {  	s17 =	sshll.u32 s18, $0x8;
	s18 =	sshll.u32 s18, $0x6  }
0x13e: {  	v22 =	vld [tilespmem:s17+$0xF0]  }
0x13f: {  	v23 =	vld [tilespmem:s17+$0xE0]  }
0x140: {  	v24 =	vld [tilespmem:s17+$0xD0]  }
0x141: {  	v25 =	vld [tilespmem:s17+$0xC0]  }
0x142: {  	v26 =	vld [tilespmem:s17+$0xB0]  }
0x143: {  	v27 =	vld [tilespmem:s17+$0xA0];
	vm1 =	veq.f32 v22, v21  }
0x144: {  	v22 =	vld [tilespmem:s17+$0x90];
	vm2 =	veq.f32 v23, v21;
	v23 =	vnsel vm1, $0xC0000000, v10  }
0x145: {  	v28 =	vld [tilespmem:s17+$0x80];
	vm1 =	veq.f32 v24, v21;
	v23 =	vsel vm2, v11, v23  }
0x146: {  	v24 =	vld [tilespmem:s17+$0x70];
	vm2 =	veq.f32 v25, v21;
	v23 =	vsel vm1, v12, v23  }
0x147: {  	v25 =	vld [tilespmem:s17+$0x60];
	vm1 =	veq.f32 v26, v21;
	v23 =	vsel vm2, v13, v23  }
0x148: {  	v26 =	vld [tilespmem:s17+$0x50];
	vm2 =	veq.f32 v27, v21;
	v23 =	vsel vm1, v14, v23  }
0x149: {  	v27 =	vld [tilespmem:s17+$0x40];
	vm1 =	veq.f32 v22, v21;
	v22 =	vsel vm2, v15, v23  }
0x14a: {  	v23 =	vld [tilespmem:s17+$0x30];
	vm2 =	veq.f32 v28, v21;
	v22 =	vsel vm1, v16, v22  }
0x14b: {  	v28 =	vld [tilespmem:s17+$0x20];
	vm1 =	veq.f32 v24, v21;
	v22 =	vsel vm2, v17, v22  }
0x14c: {  	v24 =	vld [tilespmem:s17+$0x10];
	vm2 =	veq.f32 v25, v21;
	v22 =	vsel vm1, v2, v22  }
0x14d: {  	v25 =	vld [tilespmem:s17+$0x0];
	vm1 =	veq.f32 v26, v21;
	v22 =	vsel vm2, v3, v22  }
0x14e: {  	vm2 =	veq.f32 v27, v21;
	v22 =	vsel vm1, v4, v22  }
0x14f: {  	vm1 =	veq.f32 v23, v21;
	v22 =	vsel vm2, v5, v22  }
.Ltmp3:
0x150: {  	vm2 =	veq.f32 v28, v21;
	v22 =	vsel vm1, v6, v22;
	(pc) =	sbr.rel @p0 .LBB2_8-.Ltmp3, $4  }
0x151: {  	vm1 =	veq.f32 v24, v21;
	v22 =	vsel vm2, v7, v22  }
0x152: {  	vm2 =	veq.f32 v25, v21;
	v21 =	vsel vm1, v8, v22  }
0x153: {  	v21 =	vsel vm2, v9, v21  }
0x154: {  	(xrf0) =	vmin.scan.msk.u32 $0xffff, v21  }
0x155: {  	_ =	sdelay $0x4  }
0x156: {  	v21, _, _ =	vpop (xrf0)  }
0x157: {  	(v2sf) =	vpush v21, $0xF;
	_ =	sdelay $0xe  }
0x158: {  	s19 =	spop (v2sf)  }
0x159: {  	s15 =	sadd.s32 s19, s17  }
0x15a: {  	s15 =	sadd.s32 $0x80000000, s15  }
0x15b: {  	s21 =	sand.u32 $0x70, s19;
	s20 =	sand.u32 $0xFFFFFF80, s15  }
0x15c: {  	s20 =	sor.u32 s21, s20  }
0x15d: {  	v37 =	vld [tilespmem:s20+$0x0];
	_ =	sdelay $0x1  }
0x15e: {  	s19 =	sand.u32 $0xF, s19  }
0x15f: {  	v22 =	vmov s19  }
0x160: {  	vm1 =	veq.s32 v22, v1  }
0x161: {  	v21 =	vsel vm1, $0xBF800000, v37  }
0x162: {  	[tilespmem:s20+$0x0] =	vst v21  }
0x163: {  	v21 =	vld [tilespmem:s17+$0x0]  }
0x164: {  	v38 =	vld [tilespmem:s17+$0x10]  }
0x165: {  	v23 =	vld [tilespmem:s17+$0x20]  }
0x166: {  	v24 =	vld [tilespmem:s17+$0x30]  }
0x167: {  	v25 =	vld [tilespmem:s17+$0x40]  }
0x168: {  	v26 =	vld [tilespmem:s17+$0x50]  }
0x169: {  	v39 =	vld [tilespmem:s17+$0x60];
	v21 =	vmax.f32 v21, v38  }
0x16a: {  	v40 =	vld [tilespmem:s17+$0x70];
	v21 =	vmax.f32 v21, v23  }
0x16b: {  	v41 =	vld [tilespmem:s17+$0x80];
	v21 =	vmax.f32 v21, v24  }
0x16c: {  	v42 =	vld [tilespmem:s17+$0x90];
	v21 =	vmax.f32 v21, v25  }
0x16d: {  	v43 =	vld [tilespmem:s17+$0xA0];
	v21 =	vmax.f32 v21, v26  }
0x16e: {  	v44 =	vld [tilespmem:s17+$0xB0];
	v21 =	vmax.f32 v21, v39  }
0x16f: {  	v45 =	vld [tilespmem:s17+$0xC0];
	v21 =	vmax.f32 v21, v40  }
0x170: {  	v46 =	vld [tilespmem:s17+$0xD0];
	v21 =	vmax.f32 v21, v41  }
0x171: {  	v47 =	vld [tilespmem:s17+$0xE0];
	v21 =	vmax.f32 v21, v42  }
0x172: {  	v48 =	vld [tilespmem:s17+$0xF0];
	v21 =	vmax.f32 v21, v43  }
0x173: {  	v21 =	vmax.f32 v21, v44  }
0x174: {  	v21 =	vmax.f32 v21, v45  }
0x175: {  	v21 =	vmax.f32 v21, v46  }
0x176: {  	v21 =	vmax.f32 v21, v47  }
0x177: {  	s30 =	sshra.s32 s18, $0x2;
	v21 =	vmax.f32 v21, v48  }
0x178: {  	[tilespmem:s30+$0x10000] =	vst v21  }
0x179: {  	v21 =	vld [tilespmem:s13+$0x10010]  }
0x17a: {  	v49 =	vld [tilespmem:s13+$0x10000]  }
0x17b: {  	v50 =	vld [tilespmem:s13+$0x10020]  }
0x17c: {  	v51 =	vld [tilespmem:s13+$0x10030]  }
0x17d: {  	v52 =	vld [tilespmem:s13+$0x10040]  }
0x17e: {  	v53 =	vld [tilespmem:s13+$0x10050]  }
0x17f: {  	v54 =	vld [tilespmem:s13+$0x10060];
	v21 =	vmax.f32 v49, v21  }
0x180: {  	v55 =	vld [tilespmem:s13+$0x10070];
	v21 =	vmax.f32 v21, v50  }
0x181: {  	v56 =	vld [tilespmem:s13+$0x10080];
	v21 =	vmax.f32 v21, v51  }
0x182: {  	v57 =	vld [tilespmem:s13+$0x10090];
	v21 =	vmax.f32 v21, v52  }
0x183: {  	v58 =	vld [tilespmem:s13+$0x100A0];
	v21 =	vmax.f32 v21, v53  }
0x184: {  	v59 =	vld [tilespmem:s13+$0x100B0];
	v21 =	vmax.f32 v21, v54  }
0x185: {  	s31 =	sadd.s32 $0xFFFFFFF0, s14;
	v60 =	vld [tilespmem:s13+$0x100C0];
	v21 =	vmax.f32 v21, v55  }
0x186: {  	vm3 =	vmmov vm0;
	s17 =	smin.u32 s14, s31;
	v61 =	vld [tilespmem:s13+$0x100D0];
	v21 =	vmax.f32 v21, v56  }
0x187: {  	p0 =	slt.u32 s14, $0x10;
	vm1 =	vmmov vm0;
	v27 =	vmov s17;
	v62 =	vld [tilespmem:s13+$0x100E0];
	v21 =	vmax.f32 v21, v57  }
0x188: {  	p1 =	sgt.u32 s14, $0xF;
	vm1 =	vmneg @p0 vm1;
	vm2 =	veq.s32 v27, v1;
	v63 =	vld [tilespmem:s13+$0x100F0];
	v21 =	vmax.f32 v21, v58  }
0x189: {  	vm3 =	vmneg @p1 vm3;
	vm1 =	vmand vm1, vm2;
	v21 =	vmax.f32 v21, v59  }
0x18a: {  	vm2 =	vmand vm3, vm2;
	v19 =	vsel vm1, s15, v19;
	v21 =	vmax.f32 v21, v60  }
0x18b: {  	v20 =	vsel vm2, s15, v20;
	v21 =	vmax.f32 v21, v61  }
0x18c: {  	s12 =	sand.u32 $0x70, s12;
	v21 =	vmax.f32 v21, v62  }
0x18d: {  	s12 =	sor.u32 s12, s16;
	v21 =	vmax.f32 v21, v63  }
0x18e: {  	s11 =	sadd.s32 $0x1, s11;
	[tilespmem:s12+$0x10800] =	vst v21  }
0x18f: {  	p0 =	sne.s32 s11, s6;
	[tilespmem:v19+s9+$0x0] =	vst.idx.msk $0xffff, v1  }
.Ltmp4:
0x190: {  	[tilespmem:v20+s9+$0x0] =	vst.idx.msk $0x7fff, v18;
	(pc) =	sbr.rel @p0 .LBB2_1-.Ltmp4, $4  }
0x191: {  	[hbm4b:s5+s7] =	stream.strided.scatter [tilespmem:s9], [sflag:$0x2], $0x8000, s3, s7, $0x38;
	[tilespmem:$0x10880] =	vst v63  }
0x192: {  	_ =	swait.ge [sflag:s10], $0x8000  }
0x193: {  	[sflag:s10] =	ssyncset.done $0x0  }
0x194: {  	[sflag:s10] =	ssyncadd.s32 $0xFFFF8000  }
0x195: {  	_ =	sfence.sel $0x180000  }
0x196: {  	[bflag:$0x0] =	sbarrier.arrive $0xFFFF  }
0x197: {  	p0 =	sne.s32 s1, $0x0;
	_ =	strace $0x90000047  }
0x198: {  	s0 =	sadd.s32 @!p0 $0x100000, s0;
	[bflag:$0x2] =	sbarrier.arrive $0xFFFF  }
0x199: {  	[sflag:s0] =	ssyncadd.tile.s32 @!p0 $0x1;
	_ =	shalt  }
.Lfunc_end2:
_tile_overlayer_lowered:
.L_overlay_start_2:
0x19a: {  	(tag) =	ssettag $0x2  }
0x19b: {  	s0 =	rddreg [dreg:$0x0];
	s2 =	stileid.u32  }
0x19c: {  	s1 =	rddreg [dreg:$0x1];
	p0 =	sne.s32 s2, $0x0  }
0x19d: {  	s3 =	rddreg [dreg:$0x2];
	[bflag:$0x3] =	sbarrier.arrive $0xFFFF;
	s2 =	simm.s32 @!p0 $0x1C02  }
0x19e: {  	[timem:s3], [sflag:s2] =	dma.local @!p0 [hbm:s0], s1  }
0x19f: {  	s0 =	simm.s32 @!p0 $0x2  }
0x1a0: {  	_ =	swait.ge @!p0 [sflag:s0], s1  }
0x1a1: {  	s1 =	ssub.s32 @!p0 $0x0, s1;
	[sflag:s0] =	ssyncset.done @!p0 $0x0  }
0x1a2: {  	[sflag:s0] =	ssyncadd.s32 @!p0 s1  }
0x1a3: {  	[bflag:$0x3] =	sbarrier.arrive $0xFFFF  }
0x1a4: {  	_ =	shalt  }

</sc_bundles>
